<compile_context>
chip_gen: v7x
topology: tpu7x:2x2x1
jax: 0.10.2.dev20260603
libtpu: 0.0.44.dev20260713+nightly
codegen_flags: <defaults>
</compile_context>

<pallas_src>
import functools

import jax
import jax.numpy as jnp
from jax import lax
from jax.experimental import pallas as pl
from jax.experimental.pallas import tpu as pltpu
from jax.experimental.pallas import tpu_sc as plsc

N = 10000
E = 160000
F = 256
H = 256
C = 40

NC, NS = 2, 16
RPT = N // NS

K1, CH1 = 50, 200
K2, CH2 = 125, 40

NB1 = 4
NB2 = 4

RB = 1000
GR = N // RB

_MESH = plsc.VectorSubcoreMesh(
    core_axis_name="c", subcore_axis_name="s", num_cores=NC, num_subcores=NS)



@functools.partial(
    pl.kernel,
    out_type=jax.ShapeDtypeStruct((NC, 1, N), jnp.float32),
    mesh=_MESH,
    compiler_params=pltpu.CompilerParams(use_tc_tiling_on_sc=False),
    scratch_types=[
        pltpu.VMEM((CH2, K2), jnp.int32),
        pltpu.VMEM((K2,), jnp.float32),
        pltpu.VMEM((N,), jnp.float32),
        pltpu.VMEM_SHARED((N,), jnp.float32),
    ],
)
def _deg_kernel(dst2_hbm, ones_hbm, zeros_hbm, deg_out, idx_v, ones_v, stage_v,
                deg_sh):
    c = lax.axis_index("c")
    s = lax.axis_index("s")

    @pl.when(s == 0)
    def _():
        pltpu.sync_copy(zeros_hbm, stage_v)
        pltpu.sync_copy(stage_v, deg_sh)

    pltpu.sync_copy(dst2_hbm.at[c, s], idx_v)
    pltpu.sync_copy(ones_hbm, ones_v)
    plsc.subcore_barrier()

    @pl.loop(0, CH2)
    def _(j):
        pltpu.sync_copy(ones_v, deg_sh.at[idx_v.at[j]], add=True)

    plsc.subcore_barrier()

    @pl.when(s == 0)
    def _():
        pltpu.sync_copy(deg_sh, stage_v)
        pltpu.sync_copy(stage_v, deg_out.at[c, 0])


@functools.partial(
    pl.kernel,
    out_type=jax.ShapeDtypeStruct((NC * N, H // 2), jnp.float32),
    mesh=_MESH,
    compiler_params=pltpu.CompilerParams(use_tc_tiling_on_sc=False),
    scratch_types=[
        pltpu.VMEM((CH1, K1), jnp.int32),
        pltpu.VMEM((CH1, K1), jnp.int32),
        pltpu.VMEM((K1, H // 2), jnp.float32),
        pltpu.VMEM((K1, H // 2), jnp.float32),
        pltpu.VMEM((K1, H // 2), jnp.float32),
        pltpu.VMEM((K1, H // 2), jnp.float32),
        pltpu.SemaphoreType.DMA,
        pltpu.SemaphoreType.DMA,
        pltpu.SemaphoreType.DMA,
        pltpu.SemaphoreType.DMA,
        pltpu.SemaphoreType.DMA,
        pltpu.SemaphoreType.DMA,
        pltpu.SemaphoreType.DMA,
        pltpu.SemaphoreType.DMA,
        pltpu.VMEM_SHARED((N, H // 2), jnp.float32),
    ],
)
def _layer1_kernel(y_hbm, src1_hbm, dst1_hbm, acc_out, sidx_v, didx_v,
                   r0, r1, r2, r3, g0, g1, g2, g3, s0, s1, s2, s3, acc_sh):
    rows_v = (r0, r1, r2, r3)
    gsem = (g0, g1, g2, g3)
    ssem = (s0, s1, s2, s3)
    c = lax.axis_index("c")
    s = lax.axis_index("s")

    @pl.when(s == 0)
    def _():
        pltpu.sync_copy(y_hbm.at[pl.ds(c * N, N)], acc_sh)

    pltpu.sync_copy(src1_hbm.at[s], sidx_v)
    pltpu.sync_copy(dst1_hbm.at[s], didx_v)
    plsc.subcore_barrier()

    for b in range(NB1):
        pltpu.async_copy(y_hbm.at[pl.ds(c * N, N)].at[sidx_v.at[b]], rows_v[b], gsem[b])

    @pl.loop(0, CH1, step=NB1)
    def _(j):
        for b in range(NB1):
            i = j + b
            pltpu.make_async_copy(y_hbm.at[pl.ds(c * N, N)].at[sidx_v.at[i]], rows_v[b],
                                  gsem[b]).wait()
            pltpu.async_copy(rows_v[b], acc_sh.at[didx_v.at[i]], ssem[b],
                             add=True)

            @pl.when(i + NB1 < CH1)
            def _():
                pltpu.make_async_copy(rows_v[b], acc_sh.at[didx_v.at[i]],
                                      ssem[b]).wait()
                pltpu.async_copy(y_hbm.at[pl.ds(c * N, N)].at[sidx_v.at[i + NB1]], rows_v[b],
                                 gsem[b])

    for b in range(NB1):
        pltpu.make_async_copy(rows_v[b], acc_sh.at[didx_v.at[b]],
                              ssem[b]).wait()

    plsc.subcore_barrier()

    @pl.when(s == 0)
    def _():
        pltpu.sync_copy(acc_sh, acc_out.at[pl.ds(c * N, N)])


@functools.partial(
    pl.kernel,
    out_type=jax.ShapeDtypeStruct((NC * N, C), jnp.float32),
    mesh=_MESH,
    compiler_params=pltpu.CompilerParams(use_tc_tiling_on_sc=False),
    scratch_types=[
        pltpu.VMEM((CH2, K2), jnp.int32),
        pltpu.VMEM((CH2, K2), jnp.int32),
        pltpu.VMEM((K2, C), jnp.float32),
        pltpu.VMEM((K2, C), jnp.float32),
        pltpu.VMEM((K2, C), jnp.float32),
        pltpu.VMEM((K2, C), jnp.float32),
        pltpu.SemaphoreType.DMA,
        pltpu.SemaphoreType.DMA,
        pltpu.SemaphoreType.DMA,
        pltpu.SemaphoreType.DMA,
        pltpu.SemaphoreType.DMA,
        pltpu.SemaphoreType.DMA,
        pltpu.SemaphoreType.DMA,
        pltpu.SemaphoreType.DMA,
        pltpu.VMEM_SHARED((N, C), jnp.float32),
    ],
)
def _layer2_kernel(y2_hbm, src2_hbm, dst2_hbm, acc_out, sidx_v, didx_v,
                   r0, r1, r2, r3, g0, g1, g2, g3, s0, s1, s2, s3, acc_sh):
    rows_v = (r0, r1, r2, r3)
    gsem = (g0, g1, g2, g3)
    ssem = (s0, s1, s2, s3)
    c = lax.axis_index("c")
    s = lax.axis_index("s")

    @pl.when(s == 0)
    def _():
        pltpu.sync_copy(y2_hbm.at[pl.ds(c * N, N)], acc_sh)

    pltpu.sync_copy(src2_hbm.at[c, s], sidx_v)
    pltpu.sync_copy(dst2_hbm.at[c, s], didx_v)
    plsc.subcore_barrier()

    for b in range(NB2):
        pltpu.async_copy(y2_hbm.at[sidx_v.at[b]], rows_v[b], gsem[b])

    @pl.loop(0, CH2, step=NB2)
    def _(j):
        for b in range(NB2):
            i = j + b
            pltpu.make_async_copy(y2_hbm.at[sidx_v.at[i]], rows_v[b],
                                  gsem[b]).wait()
            pltpu.async_copy(rows_v[b], acc_sh.at[didx_v.at[i]], ssem[b],
                             add=True)

            @pl.when(i + NB2 < CH2)
            def _():
                pltpu.make_async_copy(rows_v[b], acc_sh.at[didx_v.at[i]],
                                      ssem[b]).wait()
                pltpu.async_copy(y2_hbm.at[sidx_v.at[i + NB2]], rows_v[b],
                                 gsem[b])

    for b in range(NB2):
        pltpu.make_async_copy(rows_v[b], acc_sh.at[didx_v.at[b]],
                              ssem[b]).wait()

    plsc.subcore_barrier()

    @pl.when(s == 0)
    def _():
        pltpu.sync_copy(acc_sh, acc_out.at[pl.ds(c * N, N)])




def _dinv_bcast(degp_ref):
    deg = degp_ref[0, 0:1, :] + degp_ref[0, 1:2, :] + 1.0
    drow = lax.rsqrt(deg)
    ones = jnp.ones((1, 128), jnp.float32)
    return lax.dot_general(drow, ones, (((0,), (0,)), ((), ())),
                           preferred_element_type=jnp.float32)

def _mm1_body(x_ref, w_ref, degp_ref, y_ref):
    dinv = _dinv_bcast(degp_ref)
    xw = jnp.dot(x_ref[...], w_ref[...], preferred_element_type=jnp.float32)
    y_ref[0] = xw[:, : H // 2] * dinv
    y_ref[1] = xw[:, H // 2:] * dinv


def _mm2_body(acc_ref, degp_ref, b1_ref, w2_ref, y2_ref):
    dinv = _dinv_bcast(degp_ref)
    h_l = jnp.maximum(acc_ref[0] * dinv + b1_ref[:, : H // 2], 0.0)
    h_r = jnp.maximum(acc_ref[1] * dinv + b1_ref[:, H // 2:], 0.0)
    hw = (jnp.dot(h_l, w2_ref[: H // 2, :], preferred_element_type=jnp.float32)
          + jnp.dot(h_r, w2_ref[H // 2:, :], preferred_element_type=jnp.float32))
    y2 = hw * dinv[:, :C]
    y2_ref[0] = y2
    y2_ref[1] = jnp.zeros_like(y2)


def _final_body(acc_ref, degp_ref, b2_ref, out_ref):
    dinv = _dinv_bcast(degp_ref)
    z = (acc_ref[0] + acc_ref[1]) * dinv[:, :C] + b2_ref[:, :]
    m = jnp.max(z, axis=1, keepdims=True)
    zm = z - m
    lse = jnp.log(jnp.sum(jnp.exp(zm), axis=1, keepdims=True))
    out_ref[...] = zm - lse



def kernel(x, edge_index, W1, b1, W2, b2):
    src = edge_index[0].astype(jnp.int32)
    dst = edge_index[1].astype(jnp.int32)

    src1 = src.reshape(NS, CH1, K1)
    dst1 = dst.reshape(NS, CH1, K1)
    src2 = src.reshape(NC, NS, CH2, K2)
    dst2 = dst.reshape(NC, NS, CH2, K2)

    ones_k = jnp.ones((K2,), jnp.float32)
    zeros_n = jnp.zeros((N,), jnp.float32)

    deg_p = _deg_kernel(dst2, ones_k, zeros_n)
    degp_r = deg_p.reshape(NC, GR, RB).transpose(1, 0, 2)

    y1 = pl.pallas_call(
        _mm1_body,
        grid=(GR,),
        in_specs=[
            pl.BlockSpec((RB, F), lambda i: (i, 0)),
            pl.BlockSpec((F, H), lambda i: (0, 0)),
            pl.BlockSpec((1, NC, RB), lambda i: (i, 0, 0)),
        ],
        out_specs=pl.BlockSpec((NC, RB, H // 2), lambda i: (0, i, 0)),
        out_shape=jax.ShapeDtypeStruct((NC, N, H // 2), jnp.float32),
    )(x, W1, degp_r)

    acc1 = _layer1_kernel(y1.reshape(NC * N, H // 2), src1, dst1)
    acc1_r = acc1.reshape(NC, N, H // 2)

    y2i = pl.pallas_call(
        _mm2_body,
        grid=(GR,),
        in_specs=[
            pl.BlockSpec((NC, RB, H // 2), lambda i: (0, i, 0)),
            pl.BlockSpec((1, NC, RB), lambda i: (i, 0, 0)),
            pl.BlockSpec((1, H), lambda i: (0, 0)),
            pl.BlockSpec((H, C), lambda i: (0, 0)),
        ],
        out_specs=pl.BlockSpec((NC, RB, C), lambda i: (0, i, 0)),
        out_shape=jax.ShapeDtypeStruct((NC, N, C), jnp.float32),
    )(acc1_r, degp_r, b1.reshape(1, H), W2)

    acc2 = _layer2_kernel(y2i.reshape(NC * N, C), src2, dst2)
    acc2_r = acc2.reshape(NC, N, C)

    out = pl.pallas_call(
        _final_body,
        grid=(GR,),
        in_specs=[
            pl.BlockSpec((NC, RB, C), lambda i: (0, i, 0)),
            pl.BlockSpec((1, NC, RB), lambda i: (i, 0, 0)),
            pl.BlockSpec((1, C), lambda i: (0, 0)),
        ],
        out_specs=pl.BlockSpec((RB, C), lambda i: (i, 0)),
        out_shape=jax.ShapeDtypeStruct((N, C), jnp.float32),
    )(acc2_r, degp_r, b2.reshape(1, C))
    return out

# --- scband reference (transcript-rebuilt; emitter-appended) ---
"""Pipeline reference for scband-gcn-27616639713617 (READ-ONLY COPY).

The authoritative reference and input builder live on the scoring server;
editing this copy changes nothing except your own understanding.
"""

import jax, jax.numpy as jnp
import numpy as np

N_NODES = 10000
N_EDGES = 160000
NFEAT = 256
NHID = 256
NCLASS = 40


def setup_inputs(seed: int = 0) -> dict:
    key = jax.random.key(seed)
    k1, k2, k3, k4 = jax.random.split(key, 4)
    x = jax.random.normal(k1, (N_NODES, NFEAT), dtype=jnp.float32)
    edge_index = jax.random.randint(k2, (2, N_EDGES), 0, N_NODES, dtype=jnp.int64)
    # GCNConv parameters (glorot-ish init)
    W1 = jax.random.normal(k3, (NFEAT, NHID), dtype=jnp.float32) * (1.0 / np.sqrt(NFEAT))
    b1 = jnp.zeros((NHID,), dtype=jnp.float32)
    W2 = jax.random.normal(k4, (NHID, NCLASS), dtype=jnp.float32) * (1.0 / np.sqrt(NHID))
    b2 = jnp.zeros((NCLASS,), dtype=jnp.float32)
    return {"x": x, "edge_index": edge_index, "W1": W1, "b1": b1, "W2": W2, "b2": b2}


def _gcn_conv(x, W, b, src, dst, num_nodes):
    # PyG GCNConv: add self-loops, symmetric degree normalization, x@W, scatter-add, +bias
    loop = jnp.arange(num_nodes, dtype=src.dtype)
    s = jnp.concatenate([src, loop])
    d = jnp.concatenate([dst, loop])
    ew = jnp.ones(s.shape[0], dtype=x.dtype)
    deg = jnp.zeros((num_nodes,), dtype=x.dtype).at[d].add(ew)
    dinv = jnp.where(deg > 0, deg ** -0.5, 0.0)
    norm = dinv[s] * ew * dinv[d]
    xw = x @ W
    msg = jnp.take(xw, s, axis=0) * norm[:, None]
    out = jnp.zeros((num_nodes, xw.shape[1]), dtype=x.dtype).at[d].add(msg)
    return out + b


def reference(x, edge_index, W1, b1, W2, b2):
    # GCN.forward (eval mode: dropout is identity; layer_norm_first=False, use_ln=False)
    num_nodes = x.shape[0]
    src = edge_index[0]
    dst = edge_index[1]
    h = jax.nn.relu(_gcn_conv(x, W1, b1, src, dst, num_nodes))
    out = _gcn_conv(h, W2, b2, src, dst, num_nodes)
    return jax.nn.log_softmax(out, axis=1)

if __name__ == "__main__":
    import jax
    _d = setup_inputs()
    print(jax.jit(kernel)(*tuple(_d.values())))

</pallas_src>

<mosaic_0001>
#map = affine_map<(d0, d1) -> (0, 0, 0, 0)>
#map1 = affine_map<(d0, d1) -> (0)>
#map2 = affine_map<(d0, d1) -> (0, 0, 0)>
module attributes {stable_mosaic.version = 14 : i64} {
  func.func @_deg_kernel(%arg0: i32, %arg1: i32, %arg2: memref<2x16x40x125xi32, #tpu.memory_space<hbm>>, %arg3: memref<125xf32, #tpu.memory_space<hbm>>, %arg4: memref<10000xf32, #tpu.memory_space<hbm>>, %arg5: memref<2x1x10000xf32, #tpu.memory_space<hbm>>, %arg6: memref<40x125xi32, #tpu.memory_space<vmem>>, %arg7: memref<125xf32, #tpu.memory_space<vmem>>, %arg8: memref<10000xf32, #tpu.memory_space<vmem>>, %arg9: memref<10000xf32, #tpu.memory_space<vmem_shared>>) attributes {dimension_semantics = [#tpu.dimension_semantics<core_parallel>, #tpu.dimension_semantics<subcore_parallel>], iteration_bounds = array<i64: 2, 16>, scalar_prefetch = 0 : i64, scratch_operands = 4 : i64, tpu.core_type = #tpu.core_type<sc_vector_subcore>, window_params = [{transform_indices = #map}, {transform_indices = #map1}, {transform_indices = #map1}, {transform_indices = #map2}]} {
    %eq3A = arith.constant 0 : i32
    %eq3A_0 = arith.cmpi eq, %arg1, %eq3A : i32
    %convert_element_type3A = arith.extui %eq3A_0 : i1 to i32
    %cond3A = arith.constant 0 : i32
    %cond3A_1 = arith.cmpi ne, %convert_element_type3A, %cond3A : i32
    scf.if %cond3A_1 {
      "tpu.region"() ({
        %run_scoped3A = tpu.sem_alloc : memref<!tpu.dma_semaphore, #tpu.memory_space<semaphore_mem>>
        tpu.enqueue_dma source(%arg4 : memref<10000xf32, #tpu.memory_space<hbm>>) target(%arg8 : memref<10000xf32, #tpu.memory_space<vmem>>) target_semaphore(%run_scoped3A : memref<!tpu.dma_semaphore, #tpu.memory_space<semaphore_mem>>)
        tpu.wait_dma2 semaphore(%run_scoped3A : memref<!tpu.dma_semaphore, #tpu.memory_space<semaphore_mem>>) src(%arg4 : memref<10000xf32, #tpu.memory_space<hbm>>) dst(%arg8 : memref<10000xf32, #tpu.memory_space<vmem>>)
        tpu.yield
      }) : () -> ()
      "tpu.region"() ({
        %run_scoped3A = tpu.sem_alloc : memref<!tpu.dma_semaphore, #tpu.memory_space<semaphore_mem>>
        tpu.enqueue_dma source(%arg8 : memref<10000xf32, #tpu.memory_space<vmem>>) target(%arg9 : memref<10000xf32, #tpu.memory_space<vmem_shared>>) target_semaphore(%run_scoped3A : memref<!tpu.dma_semaphore, #tpu.memory_space<semaphore_mem>>)
        tpu.wait_dma2 semaphore(%run_scoped3A : memref<!tpu.dma_semaphore, #tpu.memory_space<semaphore_mem>>) src(%arg8 : memref<10000xf32, #tpu.memory_space<vmem>>) dst(%arg9 : memref<10000xf32, #tpu.memory_space<vmem_shared>>)
        tpu.yield
      }) : () -> ()
    } else {
    }
    "tpu.region"() ({
      %run_scoped3A = tpu.sem_alloc : memref<!tpu.dma_semaphore, #tpu.memory_space<semaphore_mem>>
      %dma_start3A = arith.constant 0 : i32
      %dma_start3A_12 = arith.constant 0 : i32
      %dma_start3A_13 = tpu.memref_slice %arg2[%arg0, %arg1, %dma_start3A, %dma_start3A_12] : memref<2x16x40x125xi32, #tpu.memory_space<hbm>> -> memref<1x1x40x125xi32, #tpu.memory_space<hbm>>
      %dma_start3A_14 = tpu.memref_squeeze %dma_start3A_13 : memref<1x1x40x125xi32, #tpu.memory_space<hbm>> -> memref<40x125xi32, #tpu.memory_space<hbm>>
      %dma_start3A_15 = arith.constant 0 : i32
      %dma_start3A_16 = arith.constant 0 : i32
      %dma_start3A_17 = tpu.memref_slice %arg2[%arg0, %arg1, %dma_start3A_15, %dma_start3A_16] : memref<2x16x40x125xi32, #tpu.memory_space<hbm>> -> memref<1x1x40x125xi32, #tpu.memory_space<hbm>>
      %dma_start3A_18 = tpu.memref_squeeze %dma_start3A_17 : memref<1x1x40x125xi32, #tpu.memory_space<hbm>> -> memref<40x125xi32, #tpu.memory_space<hbm>>
      tpu.enqueue_dma source(%dma_start3A_18 : memref<40x125xi32, #tpu.memory_space<hbm>>) target(%arg6 : memref<40x125xi32, #tpu.memory_space<vmem>>) target_semaphore(%run_scoped3A : memref<!tpu.dma_semaphore, #tpu.memory_space<semaphore_mem>>)
      %dma_wait3A = arith.constant 0 : i32
      %dma_wait3A_19 = arith.constant 0 : i32
      %dma_wait3A_20 = tpu.memref_slice %arg2[%arg0, %arg1, %dma_wait3A, %dma_wait3A_19] : memref<2x16x40x125xi32, #tpu.memory_space<hbm>> -> memref<1x1x40x125xi32, #tpu.memory_space<hbm>>
      %dma_wait3A_21 = tpu.memref_squeeze %dma_wait3A_20 : memref<1x1x40x125xi32, #tpu.memory_space<hbm>> -> memref<40x125xi32, #tpu.memory_space<hbm>>
      %dma_wait3A_22 = arith.constant 0 : i32
      %dma_wait3A_23 = arith.constant 0 : i32
      %dma_wait3A_24 = tpu.memref_slice %arg2[%arg0, %arg1, %dma_wait3A_22, %dma_wait3A_23] : memref<2x16x40x125xi32, #tpu.memory_space<hbm>> -> memref<1x1x40x125xi32, #tpu.memory_space<hbm>>
      %dma_wait3A_25 = tpu.memref_squeeze %dma_wait3A_24 : memref<1x1x40x125xi32, #tpu.memory_space<hbm>> -> memref<40x125xi32, #tpu.memory_space<hbm>>
      tpu.wait_dma2 semaphore(%run_scoped3A : memref<!tpu.dma_semaphore, #tpu.memory_space<semaphore_mem>>) src(%dma_wait3A_25 : memref<40x125xi32, #tpu.memory_space<hbm>>) dst(%arg6 : memref<40x125xi32, #tpu.memory_space<vmem>>)
      tpu.yield
    }) : () -> ()
    "tpu.region"() ({
      %run_scoped3A = tpu.sem_alloc : memref<!tpu.dma_semaphore, #tpu.memory_space<semaphore_mem>>
      tpu.enqueue_dma source(%arg3 : memref<125xf32, #tpu.memory_space<hbm>>) target(%arg7 : memref<125xf32, #tpu.memory_space<vmem>>) target_semaphore(%run_scoped3A : memref<!tpu.dma_semaphore, #tpu.memory_space<semaphore_mem>>)
      tpu.wait_dma2 semaphore(%run_scoped3A : memref<!tpu.dma_semaphore, #tpu.memory_space<semaphore_mem>>) src(%arg3 : memref<125xf32, #tpu.memory_space<hbm>>) dst(%arg7 : memref<125xf32, #tpu.memory_space<vmem>>)
      tpu.yield
    }) : () -> ()
    %barrier3A = arith.constant 0 : index
    tpu.barrier barrier_id(%barrier3A)
    %scan3A = arith.constant 0 : i32
    %scan3A_2 = arith.constant 40 : i32
    %scan3A_3 = arith.addi %scan3A, %scan3A_2 : i32
    %scan3A_4 = arith.constant 1 : i32
    scf.for %scan3A_12 = %scan3A to %scan3A_3 step %scan3A_4  : i32 {
      %mul3A = arith.constant 1 : i32
      %mul3A_13 = arith.muli %scan3A_12, %mul3A : i32
      %add3A = arith.constant 0 : i32
      %add3A_14 = arith.addi %add3A, %mul3A_13 : i32
      "tpu.region"() ({
        %run_scoped3A = tpu.sem_alloc : memref<!tpu.dma_semaphore, #tpu.memory_space<semaphore_mem>>
        %dma_start3A = arith.constant 0 : i32
        %dma_start3A_15 = tpu.memref_slice %arg6[%add3A_14, %dma_start3A] : memref<40x125xi32, #tpu.memory_space<vmem>> -> memref<1x125xi32, #tpu.memory_space<vmem>>
        %dma_start3A_16 = tpu.memref_squeeze %dma_start3A_15 : memref<1x125xi32, #tpu.memory_space<vmem>> -> memref<125xi32, #tpu.memory_space<vmem>>
        %dma_start3A_17 = arith.constant 0 : i32
        %dma_start3A_18 = tpu.memref_slice %arg9[%dma_start3A_17] : memref<10000xf32, #tpu.memory_space<vmem_shared>> -> memref<10000xf32, #tpu.memory_space<vmem_shared>>
        tpu.enqueue_indirect_dma source(%arg7 : memref<125xf32, #tpu.memory_space<vmem>>) target(%dma_start3A_18 : memref<10000xf32, #tpu.memory_space<vmem_shared>>) offsets(%dma_start3A_16 : memref<125xi32, #tpu.memory_space<vmem>>) semaphore(%run_scoped3A : memref<!tpu.dma_semaphore, #tpu.memory_space<semaphore_mem>>) {add = true}
        %dma_wait3A = arith.constant 0 : i32
        %dma_wait3A_19 = tpu.memref_slice %arg6[%add3A_14, %dma_wait3A] : memref<40x125xi32, #tpu.memory_space<vmem>> -> memref<1x125xi32, #tpu.memory_space<vmem>>
        %dma_wait3A_20 = tpu.memref_squeeze %dma_wait3A_19 : memref<1x125xi32, #tpu.memory_space<vmem>> -> memref<125xi32, #tpu.memory_space<vmem>>
        %dma_wait3A_21 = arith.constant 0 : i32
        %dma_wait3A_22 = tpu.memref_slice %arg9[%dma_wait3A_21] : memref<10000xf32, #tpu.memory_space<vmem_shared>> -> memref<10000xf32, #tpu.memory_space<vmem_shared>>
        tpu.wait_indirect_dma semaphore(%run_scoped3A : memref<!tpu.dma_semaphore, #tpu.memory_space<semaphore_mem>>) src(%arg7 : memref<125xf32, #tpu.memory_space<vmem>>) dst(%dma_wait3A_22 : memref<10000xf32, #tpu.memory_space<vmem_shared>>)
        tpu.yield
      }) : () -> ()
    }
    %scan3A_5 = arith.constant 40 : i32
    %barrier3A_6 = arith.constant 0 : index
    tpu.barrier barrier_id(%barrier3A_6)
    %eq3A_7 = arith.constant 0 : i32
    %eq3A_8 = arith.cmpi eq, %arg1, %eq3A_7 : i32
    %convert_element_type3A_9 = arith.extui %eq3A_8 : i1 to i32
    %cond3A_10 = arith.constant 0 : i32
    %cond3A_11 = arith.cmpi ne, %convert_element_type3A_9, %cond3A_10 : i32
    scf.if %cond3A_11 {
      "tpu.region"() ({
        %run_scoped3A_12 = tpu.sem_alloc : memref<!tpu.dma_semaphore, #tpu.memory_space<semaphore_mem>>
        tpu.enqueue_dma source(%arg9 : memref<10000xf32, #tpu.memory_space<vmem_shared>>) target(%arg8 : memref<10000xf32, #tpu.memory_space<vmem>>) target_semaphore(%run_scoped3A_12 : memref<!tpu.dma_semaphore, #tpu.memory_space<semaphore_mem>>)
        tpu.wait_dma2 semaphore(%run_scoped3A_12 : memref<!tpu.dma_semaphore, #tpu.memory_space<semaphore_mem>>) src(%arg9 : memref<10000xf32, #tpu.memory_space<vmem_shared>>) dst(%arg8 : memref<10000xf32, #tpu.memory_space<vmem>>)
        tpu.yield
      }) : () -> ()
      %run_scoped3A = arith.constant 0 : i32
      "tpu.region"() ({
        %run_scoped3A_12 = tpu.sem_alloc : memref<!tpu.dma_semaphore, #tpu.memory_space<semaphore_mem>>
        %dma_start3A = arith.constant 0 : i32
        %dma_start3A_13 = tpu.memref_slice %arg5[%arg0, %run_scoped3A, %dma_start3A] : memref<2x1x10000xf32, #tpu.memory_space<hbm>> -> memref<1x1x10000xf32, #tpu.memory_space<hbm>>
        %dma_start3A_14 = tpu.memref_squeeze %dma_start3A_13 : memref<1x1x10000xf32, #tpu.memory_space<hbm>> -> memref<10000xf32, #tpu.memory_space<hbm>>
        %dma_start3A_15 = arith.constant 0 : i32
        %dma_start3A_16 = tpu.memref_slice %arg5[%arg0, %run_scoped3A, %dma_start3A_15] : memref<2x1x10000xf32, #tpu.memory_space<hbm>> -> memref<1x1x10000xf32, #tpu.memory_space<hbm>>
        %dma_start3A_17 = tpu.memref_squeeze %dma_start3A_16 : memref<1x1x10000xf32, #tpu.memory_space<hbm>> -> memref<10000xf32, #tpu.memory_space<hbm>>
        tpu.enqueue_dma source(%arg8 : memref<10000xf32, #tpu.memory_space<vmem>>) target(%dma_start3A_17 : memref<10000xf32, #tpu.memory_space<hbm>>) target_semaphore(%run_scoped3A_12 : memref<!tpu.dma_semaphore, #tpu.memory_space<semaphore_mem>>)
        %dma_wait3A = arith.constant 0 : i32
        %dma_wait3A_18 = tpu.memref_slice %arg5[%arg0, %run_scoped3A, %dma_wait3A] : memref<2x1x10000xf32, #tpu.memory_space<hbm>> -> memref<1x1x10000xf32, #tpu.memory_space<hbm>>
        %dma_wait3A_19 = tpu.memref_squeeze %dma_wait3A_18 : memref<1x1x10000xf32, #tpu.memory_space<hbm>> -> memref<10000xf32, #tpu.memory_space<hbm>>
        %dma_wait3A_20 = arith.constant 0 : i32
        %dma_wait3A_21 = tpu.memref_slice %arg5[%arg0, %run_scoped3A, %dma_wait3A_20] : memref<2x1x10000xf32, #tpu.memory_space<hbm>> -> memref<1x1x10000xf32, #tpu.memory_space<hbm>>
        %dma_wait3A_22 = tpu.memref_squeeze %dma_wait3A_21 : memref<1x1x10000xf32, #tpu.memory_space<hbm>> -> memref<10000xf32, #tpu.memory_space<hbm>>
        tpu.wait_dma2 semaphore(%run_scoped3A_12 : memref<!tpu.dma_semaphore, #tpu.memory_space<semaphore_mem>>) src(%arg8 : memref<10000xf32, #tpu.memory_space<vmem>>) dst(%dma_wait3A_22 : memref<10000xf32, #tpu.memory_space<hbm>>)
        tpu.yield
      }) : () -> ()
    } else {
    }
    return
  }
}

#map = affine_map<(d0, d1) -> (0, 0)>
#map1 = affine_map<(d0, d1) -> (0, 0, 0, 0)>
module attributes {stable_mosaic.version = 14 : i64} {
  func.func @_layer2_kernel(%arg0: i32, %arg1: i32, %arg2: memref<20000x40xf32, #tpu.memory_space<hbm>>, %arg3: memref<2x16x40x125xi32, #tpu.memory_space<hbm>>, %arg4: memref<2x16x40x125xi32, #tpu.memory_space<hbm>>, %arg5: memref<20000x40xf32, #tpu.memory_space<hbm>>, %arg6: memref<40x125xi32, #tpu.memory_space<vmem>>, %arg7: memref<40x125xi32, #tpu.memory_space<vmem>>, %arg8: memref<125x40xf32, #tpu.memory_space<vmem>>, %arg9: memref<125x40xf32, #tpu.memory_space<vmem>>, %arg10: memref<125x40xf32, #tpu.memory_space<vmem>>, %arg11: memref<125x40xf32, #tpu.memory_space<vmem>>, %arg12: memref<!tpu.dma_semaphore, #tpu.memory_space<semaphore_mem>>, %arg13: memref<!tpu.dma_semaphore, #tpu.memory_space<semaphore_mem>>, %arg14: memref<!tpu.dma_semaphore, #tpu.memory_space<semaphore_mem>>, %arg15: memref<!tpu.dma_semaphore, #tpu.memory_space<semaphore_mem>>, %arg16: memref<!tpu.dma_semaphore, #tpu.memory_space<semaphore_mem>>, %arg17: memref<!tpu.dma_semaphore, #tpu.memory_space<semaphore_mem>>, %arg18: memref<!tpu.dma_semaphore, #tpu.memory_space<semaphore_mem>>, %arg19: memref<!tpu.dma_semaphore, #tpu.memory_space<semaphore_mem>>, %arg20: memref<10000x40xf32, #tpu.memory_space<vmem_shared>>) attributes {dimension_semantics = [#tpu.dimension_semantics<core_parallel>, #tpu.dimension_semantics<subcore_parallel>], iteration_bounds = array<i64: 2, 16>, scalar_prefetch = 0 : i64, scratch_operands = 15 : i64, tpu.core_type = #tpu.core_type<sc_vector_subcore>, window_params = [{transform_indices = #map}, {transform_indices = #map1}, {transform_indices = #map1}, {transform_indices = #map}]} {
    %eq3A = arith.constant 0 : i32
    %eq3A_0 = arith.cmpi eq, %arg1, %eq3A : i32
    %convert_element_type3A = arith.extui %eq3A_0 : i1 to i32
    %cond3A = arith.constant 0 : i32
    %cond3A_1 = arith.cmpi ne, %convert_element_type3A, %cond3A : i32
    scf.if %cond3A_1 {
      %mul3A = arith.constant 10000 : i32
      %mul3A_66 = arith.muli %arg0, %mul3A : i32
      "tpu.region"() ({
        %run_scoped3A = tpu.sem_alloc : memref<!tpu.dma_semaphore, #tpu.memory_space<semaphore_mem>>
        %dma_start3A_67 = arith.constant 0 : i32
        %dma_start3A_68 = tpu.memref_slice %arg2[%mul3A_66, %dma_start3A_67] : memref<20000x40xf32, #tpu.memory_space<hbm>> -> memref<10000x40xf32, #tpu.memory_space<hbm>>
        tpu.enqueue_dma source(%dma_start3A_68 : memref<10000x40xf32, #tpu.memory_space<hbm>>) target(%arg20 : memref<10000x40xf32, #tpu.memory_space<vmem_shared>>) target_semaphore(%run_scoped3A : memref<!tpu.dma_semaphore, #tpu.memory_space<semaphore_mem>>)
        %dma_wait3A_69 = arith.constant 0 : i32
        %dma_wait3A_70 = tpu.memref_slice %arg2[%mul3A_66, %dma_wait3A_69] : memref<20000x40xf32, #tpu.memory_space<hbm>> -> memref<10000x40xf32, #tpu.memory_space<hbm>>
        tpu.wait_dma2 semaphore(%run_scoped3A : memref<!tpu.dma_semaphore, #tpu.memory_space<semaphore_mem>>) src(%dma_wait3A_70 : memref<10000x40xf32, #tpu.memory_space<hbm>>) dst(%arg20 : memref<10000x40xf32, #tpu.memory_space<vmem_shared>>)
        tpu.yield
      }) : () -> ()
    } else {
    }
    "tpu.region"() ({
      %run_scoped3A = tpu.sem_alloc : memref<!tpu.dma_semaphore, #tpu.memory_space<semaphore_mem>>
      %dma_start3A_66 = arith.constant 0 : i32
      %dma_start3A_67 = arith.constant 0 : i32
      %dma_start3A_68 = tpu.memref_slice %arg3[%arg0, %arg1, %dma_start3A_66, %dma_start3A_67] : memref<2x16x40x125xi32, #tpu.memory_space<hbm>> -> memref<1x1x40x125xi32, #tpu.memory_space<hbm>>
      %dma_start3A_69 = tpu.memref_squeeze %dma_start3A_68 : memref<1x1x40x125xi32, #tpu.memory_space<hbm>> -> memref<40x125xi32, #tpu.memory_space<hbm>>
      %dma_start3A_70 = arith.constant 0 : i32
      %dma_start3A_71 = arith.constant 0 : i32
      %dma_start3A_72 = tpu.memref_slice %arg3[%arg0, %arg1, %dma_start3A_70, %dma_start3A_71] : memref<2x16x40x125xi32, #tpu.memory_space<hbm>> -> memref<1x1x40x125xi32, #tpu.memory_space<hbm>>
      %dma_start3A_73 = tpu.memref_squeeze %dma_start3A_72 : memref<1x1x40x125xi32, #tpu.memory_space<hbm>> -> memref<40x125xi32, #tpu.memory_space<hbm>>
      tpu.enqueue_dma source(%dma_start3A_73 : memref<40x125xi32, #tpu.memory_space<hbm>>) target(%arg6 : memref<40x125xi32, #tpu.memory_space<vmem>>) target_semaphore(%run_scoped3A : memref<!tpu.dma_semaphore, #tpu.memory_space<semaphore_mem>>)
      %dma_wait3A_74 = arith.constant 0 : i32
      %dma_wait3A_75 = arith.constant 0 : i32
      %dma_wait3A_76 = tpu.memref_slice %arg3[%arg0, %arg1, %dma_wait3A_74, %dma_wait3A_75] : memref<2x16x40x125xi32, #tpu.memory_space<hbm>> -> memref<1x1x40x125xi32, #tpu.memory_space<hbm>>
      %dma_wait3A_77 = tpu.memref_squeeze %dma_wait3A_76 : memref<1x1x40x125xi32, #tpu.memory_space<hbm>> -> memref<40x125xi32, #tpu.memory_space<hbm>>
      %dma_wait3A_78 = arith.constant 0 : i32
      %dma_wait3A_79 = arith.constant 0 : i32
      %dma_wait3A_80 = tpu.memref_slice %arg3[%arg0, %arg1, %dma_wait3A_78, %dma_wait3A_79] : memref<2x16x40x125xi32, #tpu.memory_space<hbm>> -> memref<1x1x40x125xi32, #tpu.memory_space<hbm>>
      %dma_wait3A_81 = tpu.memref_squeeze %dma_wait3A_80 : memref<1x1x40x125xi32, #tpu.memory_space<hbm>> -> memref<40x125xi32, #tpu.memory_space<hbm>>
      tpu.wait_dma2 semaphore(%run_scoped3A : memref<!tpu.dma_semaphore, #tpu.memory_space<semaphore_mem>>) src(%dma_wait3A_81 : memref<40x125xi32, #tpu.memory_space<hbm>>) dst(%arg6 : memref<40x125xi32, #tpu.memory_space<vmem>>)
      tpu.yield
    }) : () -> ()
    "tpu.region"() ({
      %run_scoped3A = tpu.sem_alloc : memref<!tpu.dma_semaphore, #tpu.memory_space<semaphore_mem>>
      %dma_start3A_66 = arith.constant 0 : i32
      %dma_start3A_67 = arith.constant 0 : i32
      %dma_start3A_68 = tpu.memref_slice %arg4[%arg0, %arg1, %dma_start3A_66, %dma_start3A_67] : memref<2x16x40x125xi32, #tpu.memory_space<hbm>> -> memref<1x1x40x125xi32, #tpu.memory_space<hbm>>
      %dma_start3A_69 = tpu.memref_squeeze %dma_start3A_68 : memref<1x1x40x125xi32, #tpu.memory_space<hbm>> -> memref<40x125xi32, #tpu.memory_space<hbm>>
      %dma_start3A_70 = arith.constant 0 : i32
      %dma_start3A_71 = arith.constant 0 : i32
      %dma_start3A_72 = tpu.memref_slice %arg4[%arg0, %arg1, %dma_start3A_70, %dma_start3A_71] : memref<2x16x40x125xi32, #tpu.memory_space<hbm>> -> memref<1x1x40x125xi32, #tpu.memory_space<hbm>>
      %dma_start3A_73 = tpu.memref_squeeze %dma_start3A_72 : memref<1x1x40x125xi32, #tpu.memory_space<hbm>> -> memref<40x125xi32, #tpu.memory_space<hbm>>
      tpu.enqueue_dma source(%dma_start3A_73 : memref<40x125xi32, #tpu.memory_space<hbm>>) target(%arg7 : memref<40x125xi32, #tpu.memory_space<vmem>>) target_semaphore(%run_scoped3A : memref<!tpu.dma_semaphore, #tpu.memory_space<semaphore_mem>>)
      %dma_wait3A_74 = arith.constant 0 : i32
      %dma_wait3A_75 = arith.constant 0 : i32
      %dma_wait3A_76 = tpu.memref_slice %arg4[%arg0, %arg1, %dma_wait3A_74, %dma_wait3A_75] : memref<2x16x40x125xi32, #tpu.memory_space<hbm>> -> memref<1x1x40x125xi32, #tpu.memory_space<hbm>>
      %dma_wait3A_77 = tpu.memref_squeeze %dma_wait3A_76 : memref<1x1x40x125xi32, #tpu.memory_space<hbm>> -> memref<40x125xi32, #tpu.memory_space<hbm>>
      %dma_wait3A_78 = arith.constant 0 : i32
      %dma_wait3A_79 = arith.constant 0 : i32
      %dma_wait3A_80 = tpu.memref_slice %arg4[%arg0, %arg1, %dma_wait3A_78, %dma_wait3A_79] : memref<2x16x40x125xi32, #tpu.memory_space<hbm>> -> memref<1x1x40x125xi32, #tpu.memory_space<hbm>>
      %dma_wait3A_81 = tpu.memref_squeeze %dma_wait3A_80 : memref<1x1x40x125xi32, #tpu.memory_space<hbm>> -> memref<40x125xi32, #tpu.memory_space<hbm>>
      tpu.wait_dma2 semaphore(%run_scoped3A : memref<!tpu.dma_semaphore, #tpu.memory_space<semaphore_mem>>) src(%dma_wait3A_81 : memref<40x125xi32, #tpu.memory_space<hbm>>) dst(%arg7 : memref<40x125xi32, #tpu.memory_space<vmem>>)
      tpu.yield
    }) : () -> ()
    %barrier3A = arith.constant 0 : index
    tpu.barrier barrier_id(%barrier3A)
    %dma_start3A = arith.constant 0 : i32
    %dma_start3A_2 = arith.constant 0 : i32
    %dma_start3A_3 = tpu.memref_slice %arg6[%dma_start3A, %dma_start3A_2] : memref<40x125xi32, #tpu.memory_space<vmem>> -> memref<1x125xi32, #tpu.memory_space<vmem>>
    %dma_start3A_4 = tpu.memref_squeeze %dma_start3A_3 : memref<1x125xi32, #tpu.memory_space<vmem>> -> memref<125xi32, #tpu.memory_space<vmem>>
    %dma_start3A_5 = arith.constant 0 : i32
    %dma_start3A_6 = arith.constant 0 : i32
    %dma_start3A_7 = tpu.memref_slice %arg2[%dma_start3A_5, %dma_start3A_6] : memref<20000x40xf32, #tpu.memory_space<hbm>> -> memref<20000x40xf32, #tpu.memory_space<hbm>>
    tpu.enqueue_indirect_dma source(%dma_start3A_7 : memref<20000x40xf32, #tpu.memory_space<hbm>>) target(%arg8 : memref<125x40xf32, #tpu.memory_space<vmem>>) offsets(%dma_start3A_4 : memref<125xi32, #tpu.memory_space<vmem>>) semaphore(%arg12 : memref<!tpu.dma_semaphore, #tpu.memory_space<semaphore_mem>>)
    %dma_start3A_8 = arith.constant 1 : i32
    %dma_start3A_9 = arith.constant 0 : i32
    %dma_start3A_10 = tpu.memref_slice %arg6[%dma_start3A_8, %dma_start3A_9] : memref<40x125xi32, #tpu.memory_space<vmem>> -> memref<1x125xi32, #tpu.memory_space<vmem>>
    %dma_start3A_11 = tpu.memref_squeeze %dma_start3A_10 : memref<1x125xi32, #tpu.memory_space<vmem>> -> memref<125xi32, #tpu.memory_space<vmem>>
    %dma_start3A_12 = arith.constant 0 : i32
    %dma_start3A_13 = arith.constant 0 : i32
    %dma_start3A_14 = tpu.memref_slice %arg2[%dma_start3A_12, %dma_start3A_13] : memref<20000x40xf32, #tpu.memory_space<hbm>> -> memref<20000x40xf32, #tpu.memory_space<hbm>>
    tpu.enqueue_indirect_dma source(%dma_start3A_14 : memref<20000x40xf32, #tpu.memory_space<hbm>>) target(%arg9 : memref<125x40xf32, #tpu.memory_space<vmem>>) offsets(%dma_start3A_11 : memref<125xi32, #tpu.memory_space<vmem>>) semaphore(%arg13 : memref<!tpu.dma_semaphore, #tpu.memory_space<semaphore_mem>>)
    %dma_start3A_15 = arith.constant 2 : i32
    %dma_start3A_16 = arith.constant 0 : i32
    %dma_start3A_17 = tpu.memref_slice %arg6[%dma_start3A_15, %dma_start3A_16] : memref<40x125xi32, #tpu.memory_space<vmem>> -> memref<1x125xi32, #tpu.memory_space<vmem>>
    %dma_start3A_18 = tpu.memref_squeeze %dma_start3A_17 : memref<1x125xi32, #tpu.memory_space<vmem>> -> memref<125xi32, #tpu.memory_space<vmem>>
    %dma_start3A_19 = arith.constant 0 : i32
    %dma_start3A_20 = arith.constant 0 : i32
    %dma_start3A_21 = tpu.memref_slice %arg2[%dma_start3A_19, %dma_start3A_20] : memref<20000x40xf32, #tpu.memory_space<hbm>> -> memref<20000x40xf32, #tpu.memory_space<hbm>>
    tpu.enqueue_indirect_dma source(%dma_start3A_21 : memref<20000x40xf32, #tpu.memory_space<hbm>>) target(%arg10 : memref<125x40xf32, #tpu.memory_space<vmem>>) offsets(%dma_start3A_18 : memref<125xi32, #tpu.memory_space<vmem>>) semaphore(%arg14 : memref<!tpu.dma_semaphore, #tpu.memory_space<semaphore_mem>>)
    %dma_start3A_22 = arith.constant 3 : i32
    %dma_start3A_23 = arith.constant 0 : i32
    %dma_start3A_24 = tpu.memref_slice %arg6[%dma_start3A_22, %dma_start3A_23] : memref<40x125xi32, #tpu.memory_space<vmem>> -> memref<1x125xi32, #tpu.memory_space<vmem>>
    %dma_start3A_25 = tpu.memref_squeeze %dma_start3A_24 : memref<1x125xi32, #tpu.memory_space<vmem>> -> memref<125xi32, #tpu.memory_space<vmem>>
    %dma_start3A_26 = arith.constant 0 : i32
    %dma_start3A_27 = arith.constant 0 : i32
    %dma_start3A_28 = tpu.memref_slice %arg2[%dma_start3A_26, %dma_start3A_27] : memref<20000x40xf32, #tpu.memory_space<hbm>> -> memref<20000x40xf32, #tpu.memory_space<hbm>>
    tpu.enqueue_indirect_dma source(%dma_start3A_28 : memref<20000x40xf32, #tpu.memory_space<hbm>>) target(%arg11 : memref<125x40xf32, #tpu.memory_space<vmem>>) offsets(%dma_start3A_25 : memref<125xi32, #tpu.memory_space<vmem>>) semaphore(%arg15 : memref<!tpu.dma_semaphore, #tpu.memory_space<semaphore_mem>>)
    %scan3A = arith.constant 0 : i32
    %scan3A_29 = arith.constant 10 : i32
    %scan3A_30 = arith.addi %scan3A, %scan3A_29 : i32
    %scan3A_31 = arith.constant 1 : i32
    scf.for %scan3A_66 = %scan3A to %scan3A_30 step %scan3A_31  : i32 {
      %mul3A = arith.constant 4 : i32
      %mul3A_67 = arith.muli %scan3A_66, %mul3A : i32
      %add3A = arith.constant 0 : i32
      %add3A_68 = arith.addi %add3A, %mul3A_67 : i32
      %add3A_69 = arith.constant 0 : i32
      %add3A_70 = arith.addi %add3A_68, %add3A_69 : i32
      %dma_wait3A_71 = arith.constant 0 : i32
      %dma_wait3A_72 = tpu.memref_slice %arg6[%add3A_70, %dma_wait3A_71] : memref<40x125xi32, #tpu.memory_space<vmem>> -> memref<1x125xi32, #tpu.memory_space<vmem>>
      %dma_wait3A_73 = tpu.memref_squeeze %dma_wait3A_72 : memref<1x125xi32, #tpu.memory_space<vmem>> -> memref<125xi32, #tpu.memory_space<vmem>>
      %dma_wait3A_74 = arith.constant 0 : i32
      %dma_wait3A_75 = arith.constant 0 : i32
      %dma_wait3A_76 = tpu.memref_slice %arg2[%dma_wait3A_74, %dma_wait3A_75] : memref<20000x40xf32, #tpu.memory_space<hbm>> -> memref<20000x40xf32, #tpu.memory_space<hbm>>
      tpu.wait_indirect_dma semaphore(%arg12 : memref<!tpu.dma_semaphore, #tpu.memory_space<semaphore_mem>>) src(%dma_wait3A_76 : memref<20000x40xf32, #tpu.memory_space<hbm>>) dst(%arg8 : memref<125x40xf32, #tpu.memory_space<vmem>>)
      %dma_start3A_77 = arith.constant 0 : i32
      %dma_start3A_78 = tpu.memref_slice %arg7[%add3A_70, %dma_start3A_77] : memref<40x125xi32, #tpu.memory_space<vmem>> -> memref<1x125xi32, #tpu.memory_space<vmem>>
      %dma_start3A_79 = tpu.memref_squeeze %dma_start3A_78 : memref<1x125xi32, #tpu.memory_space<vmem>> -> memref<125xi32, #tpu.memory_space<vmem>>
      %dma_start3A_80 = arith.constant 0 : i32
      %dma_start3A_81 = arith.constant 0 : i32
      %dma_start3A_82 = tpu.memref_slice %arg20[%dma_start3A_80, %dma_start3A_81] : memref<10000x40xf32, #tpu.memory_space<vmem_shared>> -> memref<10000x40xf32, #tpu.memory_space<vmem_shared>>
      tpu.enqueue_indirect_dma source(%arg8 : memref<125x40xf32, #tpu.memory_space<vmem>>) target(%dma_start3A_82 : memref<10000x40xf32, #tpu.memory_space<vmem_shared>>) offsets(%dma_start3A_79 : memref<125xi32, #tpu.memory_space<vmem>>) semaphore(%arg16 : memref<!tpu.dma_semaphore, #tpu.memory_space<semaphore_mem>>) {add = true}
      %add3A_83 = arith.constant 4 : i32
      %add3A_84 = arith.addi %add3A_70, %add3A_83 : i32
      %lt3A = arith.constant 40 : i32
      %lt3A_85 = arith.cmpi slt, %add3A_84, %lt3A : i32
      %convert_element_type3A_86 = arith.extui %lt3A_85 : i1 to i32
      %cond3A_87 = arith.constant 0 : i32
      %cond3A_88 = arith.cmpi ne, %convert_element_type3A_86, %cond3A_87 : i32
      scf.if %cond3A_88 {
        %dma_wait3A_152 = arith.constant 0 : i32
        %dma_wait3A_153 = tpu.memref_slice %arg7[%add3A_70, %dma_wait3A_152] : memref<40x125xi32, #tpu.memory_space<vmem>> -> memref<1x125xi32, #tpu.memory_space<vmem>>
        %dma_wait3A_154 = tpu.memref_squeeze %dma_wait3A_153 : memref<1x125xi32, #tpu.memory_space<vmem>> -> memref<125xi32, #tpu.memory_space<vmem>>
        %dma_wait3A_155 = arith.constant 0 : i32
        %dma_wait3A_156 = arith.constant 0 : i32
        %dma_wait3A_157 = tpu.memref_slice %arg20[%dma_wait3A_155, %dma_wait3A_156] : memref<10000x40xf32, #tpu.memory_space<vmem_shared>> -> memref<10000x40xf32, #tpu.memory_space<vmem_shared>>
        tpu.wait_indirect_dma semaphore(%arg16 : memref<!tpu.dma_semaphore, #tpu.memory_space<semaphore_mem>>) src(%arg8 : memref<125x40xf32, #tpu.memory_space<vmem>>) dst(%dma_wait3A_157 : memref<10000x40xf32, #tpu.memory_space<vmem_shared>>)
        %add3A_158 = arith.constant 4 : i32
        %add3A_159 = arith.addi %add3A_70, %add3A_158 : i32
        %dma_start3A_160 = arith.constant 0 : i32
        %dma_start3A_161 = tpu.memref_slice %arg6[%add3A_159, %dma_start3A_160] : memref<40x125xi32, #tpu.memory_space<vmem>> -> memref<1x125xi32, #tpu.memory_space<vmem>>
        %dma_start3A_162 = tpu.memref_squeeze %dma_start3A_161 : memref<1x125xi32, #tpu.memory_space<vmem>> -> memref<125xi32, #tpu.memory_space<vmem>>
        %dma_start3A_163 = arith.constant 0 : i32
        %dma_start3A_164 = arith.constant 0 : i32
        %dma_start3A_165 = tpu.memref_slice %arg2[%dma_start3A_163, %dma_start3A_164] : memref<20000x40xf32, #tpu.memory_space<hbm>> -> memref<20000x40xf32, #tpu.memory_space<hbm>>
        tpu.enqueue_indirect_dma source(%dma_start3A_165 : memref<20000x40xf32, #tpu.memory_space<hbm>>) target(%arg8 : memref<125x40xf32, #tpu.memory_space<vmem>>) offsets(%dma_start3A_162 : memref<125xi32, #tpu.memory_space<vmem>>) semaphore(%arg12 : memref<!tpu.dma_semaphore, #tpu.memory_space<semaphore_mem>>)
      } else {
      }
      %add3A_89 = arith.constant 1 : i32
      %add3A_90 = arith.addi %add3A_68, %add3A_89 : i32
      %dma_wait3A_91 = arith.constant 0 : i32
      %dma_wait3A_92 = tpu.memref_slice %arg6[%add3A_90, %dma_wait3A_91] : memref<40x125xi32, #tpu.memory_space<vmem>> -> memref<1x125xi32, #tpu.memory_space<vmem>>
      %dma_wait3A_93 = tpu.memref_squeeze %dma_wait3A_92 : memref<1x125xi32, #tpu.memory_space<vmem>> -> memref<125xi32, #tpu.memory_space<vmem>>
      %dma_wait3A_94 = arith.constant 0 : i32
      %dma_wait3A_95 = arith.constant 0 : i32
      %dma_wait3A_96 = tpu.memref_slice %arg2[%dma_wait3A_94, %dma_wait3A_95] : memref<20000x40xf32, #tpu.memory_space<hbm>> -> memref<20000x40xf32, #tpu.memory_space<hbm>>
      tpu.wait_indirect_dma semaphore(%arg13 : memref<!tpu.dma_semaphore, #tpu.memory_space<semaphore_mem>>) src(%dma_wait3A_96 : memref<20000x40xf32, #tpu.memory_space<hbm>>) dst(%arg9 : memref<125x40xf32, #tpu.memory_space<vmem>>)
      %dma_start3A_97 = arith.constant 0 : i32
      %dma_start3A_98 = tpu.memref_slice %arg7[%add3A_90, %dma_start3A_97] : memref<40x125xi32, #tpu.memory_space<vmem>> -> memref<1x125xi32, #tpu.memory_space<vmem>>
      %dma_start3A_99 = tpu.memref_squeeze %dma_start3A_98 : memref<1x125xi32, #tpu.memory_space<vmem>> -> memref<125xi32, #tpu.memory_space<vmem>>
      %dma_start3A_100 = arith.constant 0 : i32
      %dma_start3A_101 = arith.constant 0 : i32
      %dma_start3A_102 = tpu.memref_slice %arg20[%dma_start3A_100, %dma_start3A_101] : memref<10000x40xf32, #tpu.memory_space<vmem_shared>> -> memref<10000x40xf32, #tpu.memory_space<vmem_shared>>
      tpu.enqueue_indirect_dma source(%arg9 : memref<125x40xf32, #tpu.memory_space<vmem>>) target(%dma_start3A_102 : memref<10000x40xf32, #tpu.memory_space<vmem_shared>>) offsets(%dma_start3A_99 : memref<125xi32, #tpu.memory_space<vmem>>) semaphore(%arg17 : memref<!tpu.dma_semaphore, #tpu.memory_space<semaphore_mem>>) {add = true}
      %add3A_103 = arith.constant 4 : i32
      %add3A_104 = arith.addi %add3A_90, %add3A_103 : i32
      %lt3A_105 = arith.constant 40 : i32
      %lt3A_106 = arith.cmpi slt, %add3A_104, %lt3A_105 : i32
      %convert_element_type3A_107 = arith.extui %lt3A_106 : i1 to i32
      %cond3A_108 = arith.constant 0 : i32
      %cond3A_109 = arith.cmpi ne, %convert_element_type3A_107, %cond3A_108 : i32
      scf.if %cond3A_109 {
        %dma_wait3A_152 = arith.constant 0 : i32
        %dma_wait3A_153 = tpu.memref_slice %arg7[%add3A_90, %dma_wait3A_152] : memref<40x125xi32, #tpu.memory_space<vmem>> -> memref<1x125xi32, #tpu.memory_space<vmem>>
        %dma_wait3A_154 = tpu.memref_squeeze %dma_wait3A_153 : memref<1x125xi32, #tpu.memory_space<vmem>> -> memref<125xi32, #tpu.memory_space<vmem>>
        %dma_wait3A_155 = arith.constant 0 : i32
        %dma_wait3A_156 = arith.constant 0 : i32
        %dma_wait3A_157 = tpu.memref_slice %arg20[%dma_wait3A_155, %dma_wait3A_156] : memref<10000x40xf32, #tpu.memory_space<vmem_shared>> -> memref<10000x40xf32, #tpu.memory_space<vmem_shared>>
        tpu.wait_indirect_dma semaphore(%arg17 : memref<!tpu.dma_semaphore, #tpu.memory_space<semaphore_mem>>) src(%arg9 : memref<125x40xf32, #tpu.memory_space<vmem>>) dst(%dma_wait3A_157 : memref<10000x40xf32, #tpu.memory_space<vmem_shared>>)
        %add3A_158 = arith.constant 4 : i32
        %add3A_159 = arith.addi %add3A_90, %add3A_158 : i32
        %dma_start3A_160 = arith.constant 0 : i32
        %dma_start3A_161 = tpu.memref_slice %arg6[%add3A_159, %dma_start3A_160] : memref<40x125xi32, #tpu.memory_space<vmem>> -> memref<1x125xi32, #tpu.memory_space<vmem>>
        %dma_start3A_162 = tpu.memref_squeeze %dma_start3A_161 : memref<1x125xi32, #tpu.memory_space<vmem>> -> memref<125xi32, #tpu.memory_space<vmem>>
        %dma_start3A_163 = arith.constant 0 : i32
        %dma_start3A_164 = arith.constant 0 : i32
        %dma_start3A_165 = tpu.memref_slice %arg2[%dma_start3A_163, %dma_start3A_164] : memref<20000x40xf32, #tpu.memory_space<hbm>> -> memref<20000x40xf32, #tpu.memory_space<hbm>>
        tpu.enqueue_indirect_dma source(%dma_start3A_165 : memref<20000x40xf32, #tpu.memory_space<hbm>>) target(%arg9 : memref<125x40xf32, #tpu.memory_space<vmem>>) offsets(%dma_start3A_162 : memref<125xi32, #tpu.memory_space<vmem>>) semaphore(%arg13 : memref<!tpu.dma_semaphore, #tpu.memory_space<semaphore_mem>>)
      } else {
      }
      %add3A_110 = arith.constant 2 : i32
      %add3A_111 = arith.addi %add3A_68, %add3A_110 : i32
      %dma_wait3A_112 = arith.constant 0 : i32
      %dma_wait3A_113 = tpu.memref_slice %arg6[%add3A_111, %dma_wait3A_112] : memref<40x125xi32, #tpu.memory_space<vmem>> -> memref<1x125xi32, #tpu.memory_space<vmem>>
      %dma_wait3A_114 = tpu.memref_squeeze %dma_wait3A_113 : memref<1x125xi32, #tpu.memory_space<vmem>> -> memref<125xi32, #tpu.memory_space<vmem>>
      %dma_wait3A_115 = arith.constant 0 : i32
      %dma_wait3A_116 = arith.constant 0 : i32
      %dma_wait3A_117 = tpu.memref_slice %arg2[%dma_wait3A_115, %dma_wait3A_116] : memref<20000x40xf32, #tpu.memory_space<hbm>> -> memref<20000x40xf32, #tpu.memory_space<hbm>>
      tpu.wait_indirect_dma semaphore(%arg14 : memref<!tpu.dma_semaphore, #tpu.memory_space<semaphore_mem>>) src(%dma_wait3A_117 : memref<20000x40xf32, #tpu.memory_space<hbm>>) dst(%arg10 : memref<125x40xf32, #tpu.memory_space<vmem>>)
      %dma_start3A_118 = arith.constant 0 : i32
      %dma_start3A_119 = tpu.memref_slice %arg7[%add3A_111, %dma_start3A_118] : memref<40x125xi32, #tpu.memory_space<vmem>> -> memref<1x125xi32, #tpu.memory_space<vmem>>
      %dma_start3A_120 = tpu.memref_squeeze %dma_start3A_119 : memref<1x125xi32, #tpu.memory_space<vmem>> -> memref<125xi32, #tpu.memory_space<vmem>>
      %dma_start3A_121 = arith.constant 0 : i32
      %dma_start3A_122 = arith.constant 0 : i32
      %dma_start3A_123 = tpu.memref_slice %arg20[%dma_start3A_121, %dma_start3A_122] : memref<10000x40xf32, #tpu.memory_space<vmem_shared>> -> memref<10000x40xf32, #tpu.memory_space<vmem_shared>>
      tpu.enqueue_indirect_dma source(%arg10 : memref<125x40xf32, #tpu.memory_space<vmem>>) target(%dma_start3A_123 : memref<10000x40xf32, #tpu.memory_space<vmem_shared>>) offsets(%dma_start3A_120 : memref<125xi32, #tpu.memory_space<vmem>>) semaphore(%arg18 : memref<!tpu.dma_semaphore, #tpu.memory_space<semaphore_mem>>) {add = true}
      %add3A_124 = arith.constant 4 : i32
      %add3A_125 = arith.addi %add3A_111, %add3A_124 : i32
      %lt3A_126 = arith.constant 40 : i32
      %lt3A_127 = arith.cmpi slt, %add3A_125, %lt3A_126 : i32
      %convert_element_type3A_128 = arith.extui %lt3A_127 : i1 to i32
      %cond3A_129 = arith.constant 0 : i32
      %cond3A_130 = arith.cmpi ne, %convert_element_type3A_128, %cond3A_129 : i32
      scf.if %cond3A_130 {
        %dma_wait3A_152 = arith.constant 0 : i32
        %dma_wait3A_153 = tpu.memref_slice %arg7[%add3A_111, %dma_wait3A_152] : memref<40x125xi32, #tpu.memory_space<vmem>> -> memref<1x125xi32, #tpu.memory_space<vmem>>
        %dma_wait3A_154 = tpu.memref_squeeze %dma_wait3A_153 : memref<1x125xi32, #tpu.memory_space<vmem>> -> memref<125xi32, #tpu.memory_space<vmem>>
        %dma_wait3A_155 = arith.constant 0 : i32
        %dma_wait3A_156 = arith.constant 0 : i32
        %dma_wait3A_157 = tpu.memref_slice %arg20[%dma_wait3A_155, %dma_wait3A_156] : memref<10000x40xf32, #tpu.memory_space<vmem_shared>> -> memref<10000x40xf32, #tpu.memory_space<vmem_shared>>
        tpu.wait_indirect_dma semaphore(%arg18 : memref<!tpu.dma_semaphore, #tpu.memory_space<semaphore_mem>>) src(%arg10 : memref<125x40xf32, #tpu.memory_space<vmem>>) dst(%dma_wait3A_157 : memref<10000x40xf32, #tpu.memory_space<vmem_shared>>)
        %add3A_158 = arith.constant 4 : i32
        %add3A_159 = arith.addi %add3A_111, %add3A_158 : i32
        %dma_start3A_160 = arith.constant 0 : i32
        %dma_start3A_161 = tpu.memref_slice %arg6[%add3A_159, %dma_start3A_160] : memref<40x125xi32, #tpu.memory_space<vmem>> -> memref<1x125xi32, #tpu.memory_space<vmem>>
        %dma_start3A_162 = tpu.memref_squeeze %dma_start3A_161 : memref<1x125xi32, #tpu.memory_space<vmem>> -> memref<125xi32, #tpu.memory_space<vmem>>
        %dma_start3A_163 = arith.constant 0 : i32
        %dma_start3A_164 = arith.constant 0 : i32
        %dma_start3A_165 = tpu.memref_slice %arg2[%dma_start3A_163, %dma_start3A_164] : memref<20000x40xf32, #tpu.memory_space<hbm>> -> memref<20000x40xf32, #tpu.memory_space<hbm>>
        tpu.enqueue_indirect_dma source(%dma_start3A_165 : memref<20000x40xf32, #tpu.memory_space<hbm>>) target(%arg10 : memref<125x40xf32, #tpu.memory_space<vmem>>) offsets(%dma_start3A_162 : memref<125xi32, #tpu.memory_space<vmem>>) semaphore(%arg14 : memref<!tpu.dma_semaphore, #tpu.memory_space<semaphore_mem>>)
      } else {
      }
      %add3A_131 = arith.constant 3 : i32
      %add3A_132 = arith.addi %add3A_68, %add3A_131 : i32
      %dma_wait3A_133 = arith.constant 0 : i32
      %dma_wait3A_134 = tpu.memref_slice %arg6[%add3A_132, %dma_wait3A_133] : memref<40x125xi32, #tpu.memory_space<vmem>> -> memref<1x125xi32, #tpu.memory_space<vmem>>
      %dma_wait3A_135 = tpu.memref_squeeze %dma_wait3A_134 : memref<1x125xi32, #tpu.memory_space<vmem>> -> memref<125xi32, #tpu.memory_space<vmem>>
      %dma_wait3A_136 = arith.constant 0 : i32
      %dma_wait3A_137 = arith.constant 0 : i32
      %dma_wait3A_138 = tpu.memref_slice %arg2[%dma_wait3A_136, %dma_wait3A_137] : memref<20000x40xf32, #tpu.memory_space<hbm>> -> memref<20000x40xf32, #tpu.memory_space<hbm>>
      tpu.wait_indirect_dma semaphore(%arg15 : memref<!tpu.dma_semaphore, #tpu.memory_space<semaphore_mem>>) src(%dma_wait3A_138 : memref<20000x40xf32, #tpu.memory_space<hbm>>) dst(%arg11 : memref<125x40xf32, #tpu.memory_space<vmem>>)
      %dma_start3A_139 = arith.constant 0 : i32
      %dma_start3A_140 = tpu.memref_slice %arg7[%add3A_132, %dma_start3A_139] : memref<40x125xi32, #tpu.memory_space<vmem>> -> memref<1x125xi32, #tpu.memory_space<vmem>>
      %dma_start3A_141 = tpu.memref_squeeze %dma_start3A_140 : memref<1x125xi32, #tpu.memory_space<vmem>> -> memref<125xi32, #tpu.memory_space<vmem>>
      %dma_start3A_142 = arith.constant 0 : i32
      %dma_start3A_143 = arith.constant 0 : i32
      %dma_start3A_144 = tpu.memref_slice %arg20[%dma_start3A_142, %dma_start3A_143] : memref<10000x40xf32, #tpu.memory_space<vmem_shared>> -> memref<10000x40xf32, #tpu.memory_space<vmem_shared>>
      tpu.enqueue_indirect_dma source(%arg11 : memref<125x40xf32, #tpu.memory_space<vmem>>) target(%dma_start3A_144 : memref<10000x40xf32, #tpu.memory_space<vmem_shared>>) offsets(%dma_start3A_141 : memref<125xi32, #tpu.memory_space<vmem>>) semaphore(%arg19 : memref<!tpu.dma_semaphore, #tpu.memory_space<semaphore_mem>>) {add = true}
      %add3A_145 = arith.constant 4 : i32
      %add3A_146 = arith.addi %add3A_132, %add3A_145 : i32
      %lt3A_147 = arith.constant 40 : i32
      %lt3A_148 = arith.cmpi slt, %add3A_146, %lt3A_147 : i32
      %convert_element_type3A_149 = arith.extui %lt3A_148 : i1 to i32
      %cond3A_150 = arith.constant 0 : i32
      %cond3A_151 = arith.cmpi ne, %convert_element_type3A_149, %cond3A_150 : i32
      scf.if %cond3A_151 {
        %dma_wait3A_152 = arith.constant 0 : i32
        %dma_wait3A_153 = tpu.memref_slice %arg7[%add3A_132, %dma_wait3A_152] : memref<40x125xi32, #tpu.memory_space<vmem>> -> memref<1x125xi32, #tpu.memory_space<vmem>>
        %dma_wait3A_154 = tpu.memref_squeeze %dma_wait3A_153 : memref<1x125xi32, #tpu.memory_space<vmem>> -> memref<125xi32, #tpu.memory_space<vmem>>
        %dma_wait3A_155 = arith.constant 0 : i32
        %dma_wait3A_156 = arith.constant 0 : i32
        %dma_wait3A_157 = tpu.memref_slice %arg20[%dma_wait3A_155, %dma_wait3A_156] : memref<10000x40xf32, #tpu.memory_space<vmem_shared>> -> memref<10000x40xf32, #tpu.memory_space<vmem_shared>>
        tpu.wait_indirect_dma semaphore(%arg19 : memref<!tpu.dma_semaphore, #tpu.memory_space<semaphore_mem>>) src(%arg11 : memref<125x40xf32, #tpu.memory_space<vmem>>) dst(%dma_wait3A_157 : memref<10000x40xf32, #tpu.memory_space<vmem_shared>>)
        %add3A_158 = arith.constant 4 : i32
        %add3A_159 = arith.addi %add3A_132, %add3A_158 : i32
        %dma_start3A_160 = arith.constant 0 : i32
        %dma_start3A_161 = tpu.memref_slice %arg6[%add3A_159, %dma_start3A_160] : memref<40x125xi32, #tpu.memory_space<vmem>> -> memref<1x125xi32, #tpu.memory_space<vmem>>
        %dma_start3A_162 = tpu.memref_squeeze %dma_start3A_161 : memref<1x125xi32, #tpu.memory_space<vmem>> -> memref<125xi32, #tpu.memory_space<vmem>>
        %dma_start3A_163 = arith.constant 0 : i32
        %dma_start3A_164 = arith.constant 0 : i32
        %dma_start3A_165 = tpu.memref_slice %arg2[%dma_start3A_163, %dma_start3A_164] : memref<20000x40xf32, #tpu.memory_space<hbm>> -> memref<20000x40xf32, #tpu.memory_space<hbm>>
        tpu.enqueue_indirect_dma source(%dma_start3A_165 : memref<20000x40xf32, #tpu.memory_space<hbm>>) target(%arg11 : memref<125x40xf32, #tpu.memory_space<vmem>>) offsets(%dma_start3A_162 : memref<125xi32, #tpu.memory_space<vmem>>) semaphore(%arg15 : memref<!tpu.dma_semaphore, #tpu.memory_space<semaphore_mem>>)
      } else {
      }
    }
    %scan3A_32 = arith.constant 10 : i32
    %dma_wait3A = arith.constant 0 : i32
    %dma_wait3A_33 = arith.constant 0 : i32
    %dma_wait3A_34 = tpu.memref_slice %arg7[%dma_wait3A, %dma_wait3A_33] : memref<40x125xi32, #tpu.memory_space<vmem>> -> memref<1x125xi32, #tpu.memory_space<vmem>>
    %dma_wait3A_35 = tpu.memref_squeeze %dma_wait3A_34 : memref<1x125xi32, #tpu.memory_space<vmem>> -> memref<125xi32, #tpu.memory_space<vmem>>
    %dma_wait3A_36 = arith.constant 0 : i32
    %dma_wait3A_37 = arith.constant 0 : i32
    %dma_wait3A_38 = tpu.memref_slice %arg20[%dma_wait3A_36, %dma_wait3A_37] : memref<10000x40xf32, #tpu.memory_space<vmem_shared>> -> memref<10000x40xf32, #tpu.memory_space<vmem_shared>>
    tpu.wait_indirect_dma semaphore(%arg16 : memref<!tpu.dma_semaphore, #tpu.memory_space<semaphore_mem>>) src(%arg8 : memref<125x40xf32, #tpu.memory_space<vmem>>) dst(%dma_wait3A_38 : memref<10000x40xf32, #tpu.memory_space<vmem_shared>>)
    %dma_wait3A_39 = arith.constant 1 : i32
    %dma_wait3A_40 = arith.constant 0 : i32
    %dma_wait3A_41 = tpu.memref_slice %arg7[%dma_wait3A_39, %dma_wait3A_40] : memref<40x125xi32, #tpu.memory_space<vmem>> -> memref<1x125xi32, #tpu.memory_space<vmem>>
    %dma_wait3A_42 = tpu.memref_squeeze %dma_wait3A_41 : memref<1x125xi32, #tpu.memory_space<vmem>> -> memref<125xi32, #tpu.memory_space<vmem>>
    %dma_wait3A_43 = arith.constant 0 : i32
    %dma_wait3A_44 = arith.constant 0 : i32
    %dma_wait3A_45 = tpu.memref_slice %arg20[%dma_wait3A_43, %dma_wait3A_44] : memref<10000x40xf32, #tpu.memory_space<vmem_shared>> -> memref<10000x40xf32, #tpu.memory_space<vmem_shared>>
    tpu.wait_indirect_dma semaphore(%arg17 : memref<!tpu.dma_semaphore, #tpu.memory_space<semaphore_mem>>) src(%arg9 : memref<125x40xf32, #tpu.memory_space<vmem>>) dst(%dma_wait3A_45 : memref<10000x40xf32, #tpu.memory_space<vmem_shared>>)
    %dma_wait3A_46 = arith.constant 2 : i32
    %dma_wait3A_47 = arith.constant 0 : i32
    %dma_wait3A_48 = tpu.memref_slice %arg7[%dma_wait3A_46, %dma_wait3A_47] : memref<40x125xi32, #tpu.memory_space<vmem>> -> memref<1x125xi32, #tpu.memory_space<vmem>>
    %dma_wait3A_49 = tpu.memref_squeeze %dma_wait3A_48 : memref<1x125xi32, #tpu.memory_space<vmem>> -> memref<125xi32, #tpu.memory_space<vmem>>
    %dma_wait3A_50 = arith.constant 0 : i32
    %dma_wait3A_51 = arith.constant 0 : i32
    %dma_wait3A_52 = tpu.memref_slice %arg20[%dma_wait3A_50, %dma_wait3A_51] : memref<10000x40xf32, #tpu.memory_space<vmem_shared>> -> memref<10000x40xf32, #tpu.memory_space<vmem_shared>>
    tpu.wait_indirect_dma semaphore(%arg18 : memref<!tpu.dma_semaphore, #tpu.memory_space<semaphore_mem>>) src(%arg10 : memref<125x40xf32, #tpu.memory_space<vmem>>) dst(%dma_wait3A_52 : memref<10000x40xf32, #tpu.memory_space<vmem_shared>>)
    %dma_wait3A_53 = arith.constant 3 : i32
    %dma_wait3A_54 = arith.constant 0 : i32
    %dma_wait3A_55 = tpu.memref_slice %arg7[%dma_wait3A_53, %dma_wait3A_54] : memref<40x125xi32, #tpu.memory_space<vmem>> -> memref<1x125xi32, #tpu.memory_space<vmem>>
    %dma_wait3A_56 = tpu.memref_squeeze %dma_wait3A_55 : memref<1x125xi32, #tpu.memory_space<vmem>> -> memref<125xi32, #tpu.memory_space<vmem>>
    %dma_wait3A_57 = arith.constant 0 : i32
    %dma_wait3A_58 = arith.constant 0 : i32
    %dma_wait3A_59 = tpu.memref_slice %arg20[%dma_wait3A_57, %dma_wait3A_58] : memref<10000x40xf32, #tpu.memory_space<vmem_shared>> -> memref<10000x40xf32, #tpu.memory_space<vmem_shared>>
    tpu.wait_indirect_dma semaphore(%arg19 : memref<!tpu.dma_semaphore, #tpu.memory_space<semaphore_mem>>) src(%arg11 : memref<125x40xf32, #tpu.memory_space<vmem>>) dst(%dma_wait3A_59 : memref<10000x40xf32, #tpu.memory_space<vmem_shared>>)
    %barrier3A_60 = arith.constant 0 : index
    tpu.barrier barrier_id(%barrier3A_60)
    %eq3A_61 = arith.constant 0 : i32
    %eq3A_62 = arith.cmpi eq, %arg1, %eq3A_61 : i32
    %convert_element_type3A_63 = arith.extui %eq3A_62 : i1 to i32
    %cond3A_64 = arith.constant 0 : i32
    %cond3A_65 = arith.cmpi ne, %convert_element_type3A_63, %cond3A_64 : i32
    scf.if %cond3A_65 {
      %mul3A = arith.constant 10000 : i32
      %mul3A_66 = arith.muli %arg0, %mul3A : i32
      "tpu.region"() ({
        %run_scoped3A = tpu.sem_alloc : memref<!tpu.dma_semaphore, #tpu.memory_space<semaphore_mem>>
        %dma_start3A_67 = arith.constant 0 : i32
        %dma_start3A_68 = tpu.memref_slice %arg5[%mul3A_66, %dma_start3A_67] : memref<20000x40xf32, #tpu.memory_space<hbm>> -> memref<10000x40xf32, #tpu.memory_space<hbm>>
        tpu.enqueue_dma source(%arg20 : memref<10000x40xf32, #tpu.memory_space<vmem_shared>>) target(%dma_start3A_68 : memref<10000x40xf32, #tpu.memory_space<hbm>>) target_semaphore(%run_scoped3A : memref<!tpu.dma_semaphore, #tpu.memory_space<semaphore_mem>>)
        %dma_wait3A_69 = arith.constant 0 : i32
        %dma_wait3A_70 = tpu.memref_slice %arg5[%mul3A_66, %dma_wait3A_69] : memref<20000x40xf32, #tpu.memory_space<hbm>> -> memref<10000x40xf32, #tpu.memory_space<hbm>>
        tpu.wait_dma2 semaphore(%run_scoped3A : memref<!tpu.dma_semaphore, #tpu.memory_space<semaphore_mem>>) src(%arg20 : memref<10000x40xf32, #tpu.memory_space<vmem_shared>>) dst(%dma_wait3A_70 : memref<10000x40xf32, #tpu.memory_space<hbm>>)
        tpu.yield
      }) : () -> ()
    } else {
    }
    return
  }
}

#map = affine_map<(d0, d1) -> (0, 0)>
#map1 = affine_map<(d0, d1) -> (0, 0, 0)>
module attributes {stable_mosaic.version = 14 : i64} {
  func.func @_layer1_kernel(%arg0: i32, %arg1: i32, %arg2: memref<20000x128xf32, #tpu.memory_space<hbm>>, %arg3: memref<16x200x50xi32, #tpu.memory_space<hbm>>, %arg4: memref<16x200x50xi32, #tpu.memory_space<hbm>>, %arg5: memref<20000x128xf32, #tpu.memory_space<hbm>>, %arg6: memref<200x50xi32, #tpu.memory_space<vmem>>, %arg7: memref<200x50xi32, #tpu.memory_space<vmem>>, %arg8: memref<50x128xf32, #tpu.memory_space<vmem>>, %arg9: memref<50x128xf32, #tpu.memory_space<vmem>>, %arg10: memref<50x128xf32, #tpu.memory_space<vmem>>, %arg11: memref<50x128xf32, #tpu.memory_space<vmem>>, %arg12: memref<!tpu.dma_semaphore, #tpu.memory_space<semaphore_mem>>, %arg13: memref<!tpu.dma_semaphore, #tpu.memory_space<semaphore_mem>>, %arg14: memref<!tpu.dma_semaphore, #tpu.memory_space<semaphore_mem>>, %arg15: memref<!tpu.dma_semaphore, #tpu.memory_space<semaphore_mem>>, %arg16: memref<!tpu.dma_semaphore, #tpu.memory_space<semaphore_mem>>, %arg17: memref<!tpu.dma_semaphore, #tpu.memory_space<semaphore_mem>>, %arg18: memref<!tpu.dma_semaphore, #tpu.memory_space<semaphore_mem>>, %arg19: memref<!tpu.dma_semaphore, #tpu.memory_space<semaphore_mem>>, %arg20: memref<10000x128xf32, #tpu.memory_space<vmem_shared>>) attributes {dimension_semantics = [#tpu.dimension_semantics<core_parallel>, #tpu.dimension_semantics<subcore_parallel>], iteration_bounds = array<i64: 2, 16>, scalar_prefetch = 0 : i64, scratch_operands = 15 : i64, tpu.core_type = #tpu.core_type<sc_vector_subcore>, window_params = [{transform_indices = #map}, {transform_indices = #map1}, {transform_indices = #map1}, {transform_indices = #map}]} {
    %eq3A = arith.constant 0 : i32
    %eq3A_0 = arith.cmpi eq, %arg1, %eq3A : i32
    %convert_element_type3A = arith.extui %eq3A_0 : i1 to i32
    %cond3A = arith.constant 0 : i32
    %cond3A_1 = arith.cmpi ne, %convert_element_type3A, %cond3A : i32
    scf.if %cond3A_1 {
      %mul3A_81 = arith.constant 10000 : i32
      %mul3A_82 = arith.muli %arg0, %mul3A_81 : i32
      "tpu.region"() ({
        %run_scoped3A = tpu.sem_alloc : memref<!tpu.dma_semaphore, #tpu.memory_space<semaphore_mem>>
        %dma_start3A_83 = arith.constant 0 : i32
        %dma_start3A_84 = tpu.memref_slice %arg2[%mul3A_82, %dma_start3A_83] : memref<20000x128xf32, #tpu.memory_space<hbm>> -> memref<10000x128xf32, #tpu.memory_space<hbm>>
        tpu.enqueue_dma source(%dma_start3A_84 : memref<10000x128xf32, #tpu.memory_space<hbm>>) target(%arg20 : memref<10000x128xf32, #tpu.memory_space<vmem_shared>>) target_semaphore(%run_scoped3A : memref<!tpu.dma_semaphore, #tpu.memory_space<semaphore_mem>>)
        %dma_wait3A_85 = arith.constant 0 : i32
        %dma_wait3A_86 = tpu.memref_slice %arg2[%mul3A_82, %dma_wait3A_85] : memref<20000x128xf32, #tpu.memory_space<hbm>> -> memref<10000x128xf32, #tpu.memory_space<hbm>>
        tpu.wait_dma2 semaphore(%run_scoped3A : memref<!tpu.dma_semaphore, #tpu.memory_space<semaphore_mem>>) src(%dma_wait3A_86 : memref<10000x128xf32, #tpu.memory_space<hbm>>) dst(%arg20 : memref<10000x128xf32, #tpu.memory_space<vmem_shared>>)
        tpu.yield
      }) : () -> ()
    } else {
    }
    "tpu.region"() ({
      %run_scoped3A = tpu.sem_alloc : memref<!tpu.dma_semaphore, #tpu.memory_space<semaphore_mem>>
      %dma_start3A_81 = arith.constant 0 : i32
      %dma_start3A_82 = arith.constant 0 : i32
      %dma_start3A_83 = tpu.memref_slice %arg3[%arg1, %dma_start3A_81, %dma_start3A_82] : memref<16x200x50xi32, #tpu.memory_space<hbm>> -> memref<1x200x50xi32, #tpu.memory_space<hbm>>
      %dma_start3A_84 = tpu.memref_squeeze %dma_start3A_83 : memref<1x200x50xi32, #tpu.memory_space<hbm>> -> memref<200x50xi32, #tpu.memory_space<hbm>>
      %dma_start3A_85 = arith.constant 0 : i32
      %dma_start3A_86 = arith.constant 0 : i32
      %dma_start3A_87 = tpu.memref_slice %arg3[%arg1, %dma_start3A_85, %dma_start3A_86] : memref<16x200x50xi32, #tpu.memory_space<hbm>> -> memref<1x200x50xi32, #tpu.memory_space<hbm>>
      %dma_start3A_88 = tpu.memref_squeeze %dma_start3A_87 : memref<1x200x50xi32, #tpu.memory_space<hbm>> -> memref<200x50xi32, #tpu.memory_space<hbm>>
      tpu.enqueue_dma source(%dma_start3A_88 : memref<200x50xi32, #tpu.memory_space<hbm>>) target(%arg6 : memref<200x50xi32, #tpu.memory_space<vmem>>) target_semaphore(%run_scoped3A : memref<!tpu.dma_semaphore, #tpu.memory_space<semaphore_mem>>)
      %dma_wait3A_89 = arith.constant 0 : i32
      %dma_wait3A_90 = arith.constant 0 : i32
      %dma_wait3A_91 = tpu.memref_slice %arg3[%arg1, %dma_wait3A_89, %dma_wait3A_90] : memref<16x200x50xi32, #tpu.memory_space<hbm>> -> memref<1x200x50xi32, #tpu.memory_space<hbm>>
      %dma_wait3A_92 = tpu.memref_squeeze %dma_wait3A_91 : memref<1x200x50xi32, #tpu.memory_space<hbm>> -> memref<200x50xi32, #tpu.memory_space<hbm>>
      %dma_wait3A_93 = arith.constant 0 : i32
      %dma_wait3A_94 = arith.constant 0 : i32
      %dma_wait3A_95 = tpu.memref_slice %arg3[%arg1, %dma_wait3A_93, %dma_wait3A_94] : memref<16x200x50xi32, #tpu.memory_space<hbm>> -> memref<1x200x50xi32, #tpu.memory_space<hbm>>
      %dma_wait3A_96 = tpu.memref_squeeze %dma_wait3A_95 : memref<1x200x50xi32, #tpu.memory_space<hbm>> -> memref<200x50xi32, #tpu.memory_space<hbm>>
      tpu.wait_dma2 semaphore(%run_scoped3A : memref<!tpu.dma_semaphore, #tpu.memory_space<semaphore_mem>>) src(%dma_wait3A_96 : memref<200x50xi32, #tpu.memory_space<hbm>>) dst(%arg6 : memref<200x50xi32, #tpu.memory_space<vmem>>)
      tpu.yield
    }) : () -> ()
    "tpu.region"() ({
      %run_scoped3A = tpu.sem_alloc : memref<!tpu.dma_semaphore, #tpu.memory_space<semaphore_mem>>
      %dma_start3A_81 = arith.constant 0 : i32
      %dma_start3A_82 = arith.constant 0 : i32
      %dma_start3A_83 = tpu.memref_slice %arg4[%arg1, %dma_start3A_81, %dma_start3A_82] : memref<16x200x50xi32, #tpu.memory_space<hbm>> -> memref<1x200x50xi32, #tpu.memory_space<hbm>>
      %dma_start3A_84 = tpu.memref_squeeze %dma_start3A_83 : memref<1x200x50xi32, #tpu.memory_space<hbm>> -> memref<200x50xi32, #tpu.memory_space<hbm>>
      %dma_start3A_85 = arith.constant 0 : i32
      %dma_start3A_86 = arith.constant 0 : i32
      %dma_start3A_87 = tpu.memref_slice %arg4[%arg1, %dma_start3A_85, %dma_start3A_86] : memref<16x200x50xi32, #tpu.memory_space<hbm>> -> memref<1x200x50xi32, #tpu.memory_space<hbm>>
      %dma_start3A_88 = tpu.memref_squeeze %dma_start3A_87 : memref<1x200x50xi32, #tpu.memory_space<hbm>> -> memref<200x50xi32, #tpu.memory_space<hbm>>
      tpu.enqueue_dma source(%dma_start3A_88 : memref<200x50xi32, #tpu.memory_space<hbm>>) target(%arg7 : memref<200x50xi32, #tpu.memory_space<vmem>>) target_semaphore(%run_scoped3A : memref<!tpu.dma_semaphore, #tpu.memory_space<semaphore_mem>>)
      %dma_wait3A_89 = arith.constant 0 : i32
      %dma_wait3A_90 = arith.constant 0 : i32
      %dma_wait3A_91 = tpu.memref_slice %arg4[%arg1, %dma_wait3A_89, %dma_wait3A_90] : memref<16x200x50xi32, #tpu.memory_space<hbm>> -> memref<1x200x50xi32, #tpu.memory_space<hbm>>
      %dma_wait3A_92 = tpu.memref_squeeze %dma_wait3A_91 : memref<1x200x50xi32, #tpu.memory_space<hbm>> -> memref<200x50xi32, #tpu.memory_space<hbm>>
      %dma_wait3A_93 = arith.constant 0 : i32
      %dma_wait3A_94 = arith.constant 0 : i32
      %dma_wait3A_95 = tpu.memref_slice %arg4[%arg1, %dma_wait3A_93, %dma_wait3A_94] : memref<16x200x50xi32, #tpu.memory_space<hbm>> -> memref<1x200x50xi32, #tpu.memory_space<hbm>>
      %dma_wait3A_96 = tpu.memref_squeeze %dma_wait3A_95 : memref<1x200x50xi32, #tpu.memory_space<hbm>> -> memref<200x50xi32, #tpu.memory_space<hbm>>
      tpu.wait_dma2 semaphore(%run_scoped3A : memref<!tpu.dma_semaphore, #tpu.memory_space<semaphore_mem>>) src(%dma_wait3A_96 : memref<200x50xi32, #tpu.memory_space<hbm>>) dst(%arg7 : memref<200x50xi32, #tpu.memory_space<vmem>>)
      tpu.yield
    }) : () -> ()
    %barrier3A = arith.constant 0 : index
    tpu.barrier barrier_id(%barrier3A)
    %mul3A = arith.constant 10000 : i32
    %mul3A_2 = arith.muli %arg0, %mul3A : i32
    %dma_start3A = arith.constant 0 : i32
    %dma_start3A_3 = arith.constant 0 : i32
    %dma_start3A_4 = tpu.memref_slice %arg6[%dma_start3A, %dma_start3A_3] : memref<200x50xi32, #tpu.memory_space<vmem>> -> memref<1x50xi32, #tpu.memory_space<vmem>>
    %dma_start3A_5 = tpu.memref_squeeze %dma_start3A_4 : memref<1x50xi32, #tpu.memory_space<vmem>> -> memref<50xi32, #tpu.memory_space<vmem>>
    %dma_start3A_6 = arith.constant 0 : i32
    %dma_start3A_7 = tpu.memref_slice %arg2[%mul3A_2, %dma_start3A_6] : memref<20000x128xf32, #tpu.memory_space<hbm>> -> memref<10000x128xf32, #tpu.memory_space<hbm>>
    %dma_start3A_8 = arith.constant 0 : i32
    %dma_start3A_9 = arith.constant 0 : i32
    %dma_start3A_10 = tpu.memref_slice %dma_start3A_7[%dma_start3A_8, %dma_start3A_9] : memref<10000x128xf32, #tpu.memory_space<hbm>> -> memref<10000x128xf32, #tpu.memory_space<hbm>>
    tpu.enqueue_indirect_dma source(%dma_start3A_10 : memref<10000x128xf32, #tpu.memory_space<hbm>>) target(%arg8 : memref<50x128xf32, #tpu.memory_space<vmem>>) offsets(%dma_start3A_5 : memref<50xi32, #tpu.memory_space<vmem>>) semaphore(%arg12 : memref<!tpu.dma_semaphore, #tpu.memory_space<semaphore_mem>>)
    %mul3A_11 = arith.constant 10000 : i32
    %mul3A_12 = arith.muli %arg0, %mul3A_11 : i32
    %dma_start3A_13 = arith.constant 1 : i32
    %dma_start3A_14 = arith.constant 0 : i32
    %dma_start3A_15 = tpu.memref_slice %arg6[%dma_start3A_13, %dma_start3A_14] : memref<200x50xi32, #tpu.memory_space<vmem>> -> memref<1x50xi32, #tpu.memory_space<vmem>>
    %dma_start3A_16 = tpu.memref_squeeze %dma_start3A_15 : memref<1x50xi32, #tpu.memory_space<vmem>> -> memref<50xi32, #tpu.memory_space<vmem>>
    %dma_start3A_17 = arith.constant 0 : i32
    %dma_start3A_18 = tpu.memref_slice %arg2[%mul3A_12, %dma_start3A_17] : memref<20000x128xf32, #tpu.memory_space<hbm>> -> memref<10000x128xf32, #tpu.memory_space<hbm>>
    %dma_start3A_19 = arith.constant 0 : i32
    %dma_start3A_20 = arith.constant 0 : i32
    %dma_start3A_21 = tpu.memref_slice %dma_start3A_18[%dma_start3A_19, %dma_start3A_20] : memref<10000x128xf32, #tpu.memory_space<hbm>> -> memref<10000x128xf32, #tpu.memory_space<hbm>>
    tpu.enqueue_indirect_dma source(%dma_start3A_21 : memref<10000x128xf32, #tpu.memory_space<hbm>>) target(%arg9 : memref<50x128xf32, #tpu.memory_space<vmem>>) offsets(%dma_start3A_16 : memref<50xi32, #tpu.memory_space<vmem>>) semaphore(%arg13 : memref<!tpu.dma_semaphore, #tpu.memory_space<semaphore_mem>>)
    %mul3A_22 = arith.constant 10000 : i32
    %mul3A_23 = arith.muli %arg0, %mul3A_22 : i32
    %dma_start3A_24 = arith.constant 2 : i32
    %dma_start3A_25 = arith.constant 0 : i32
    %dma_start3A_26 = tpu.memref_slice %arg6[%dma_start3A_24, %dma_start3A_25] : memref<200x50xi32, #tpu.memory_space<vmem>> -> memref<1x50xi32, #tpu.memory_space<vmem>>
    %dma_start3A_27 = tpu.memref_squeeze %dma_start3A_26 : memref<1x50xi32, #tpu.memory_space<vmem>> -> memref<50xi32, #tpu.memory_space<vmem>>
    %dma_start3A_28 = arith.constant 0 : i32
    %dma_start3A_29 = tpu.memref_slice %arg2[%mul3A_23, %dma_start3A_28] : memref<20000x128xf32, #tpu.memory_space<hbm>> -> memref<10000x128xf32, #tpu.memory_space<hbm>>
    %dma_start3A_30 = arith.constant 0 : i32
    %dma_start3A_31 = arith.constant 0 : i32
    %dma_start3A_32 = tpu.memref_slice %dma_start3A_29[%dma_start3A_30, %dma_start3A_31] : memref<10000x128xf32, #tpu.memory_space<hbm>> -> memref<10000x128xf32, #tpu.memory_space<hbm>>
    tpu.enqueue_indirect_dma source(%dma_start3A_32 : memref<10000x128xf32, #tpu.memory_space<hbm>>) target(%arg10 : memref<50x128xf32, #tpu.memory_space<vmem>>) offsets(%dma_start3A_27 : memref<50xi32, #tpu.memory_space<vmem>>) semaphore(%arg14 : memref<!tpu.dma_semaphore, #tpu.memory_space<semaphore_mem>>)
    %mul3A_33 = arith.constant 10000 : i32
    %mul3A_34 = arith.muli %arg0, %mul3A_33 : i32
    %dma_start3A_35 = arith.constant 3 : i32
    %dma_start3A_36 = arith.constant 0 : i32
    %dma_start3A_37 = tpu.memref_slice %arg6[%dma_start3A_35, %dma_start3A_36] : memref<200x50xi32, #tpu.memory_space<vmem>> -> memref<1x50xi32, #tpu.memory_space<vmem>>
    %dma_start3A_38 = tpu.memref_squeeze %dma_start3A_37 : memref<1x50xi32, #tpu.memory_space<vmem>> -> memref<50xi32, #tpu.memory_space<vmem>>
    %dma_start3A_39 = arith.constant 0 : i32
    %dma_start3A_40 = tpu.memref_slice %arg2[%mul3A_34, %dma_start3A_39] : memref<20000x128xf32, #tpu.memory_space<hbm>> -> memref<10000x128xf32, #tpu.memory_space<hbm>>
    %dma_start3A_41 = arith.constant 0 : i32
    %dma_start3A_42 = arith.constant 0 : i32
    %dma_start3A_43 = tpu.memref_slice %dma_start3A_40[%dma_start3A_41, %dma_start3A_42] : memref<10000x128xf32, #tpu.memory_space<hbm>> -> memref<10000x128xf32, #tpu.memory_space<hbm>>
    tpu.enqueue_indirect_dma source(%dma_start3A_43 : memref<10000x128xf32, #tpu.memory_space<hbm>>) target(%arg11 : memref<50x128xf32, #tpu.memory_space<vmem>>) offsets(%dma_start3A_38 : memref<50xi32, #tpu.memory_space<vmem>>) semaphore(%arg15 : memref<!tpu.dma_semaphore, #tpu.memory_space<semaphore_mem>>)
    %scan3A = arith.constant 0 : i32
    %scan3A_44 = arith.constant 50 : i32
    %scan3A_45 = arith.addi %scan3A, %scan3A_44 : i32
    %scan3A_46 = arith.constant 1 : i32
    scf.for %scan3A_81 = %scan3A to %scan3A_45 step %scan3A_46  : i32 {
      %mul3A_82 = arith.constant 4 : i32
      %mul3A_83 = arith.muli %scan3A_81, %mul3A_82 : i32
      %add3A = arith.constant 0 : i32
      %add3A_84 = arith.addi %add3A, %mul3A_83 : i32
      %add3A_85 = arith.constant 0 : i32
      %add3A_86 = arith.addi %add3A_84, %add3A_85 : i32
      %mul3A_87 = arith.constant 10000 : i32
      %mul3A_88 = arith.muli %arg0, %mul3A_87 : i32
      %dma_wait3A_89 = arith.constant 0 : i32
      %dma_wait3A_90 = tpu.memref_slice %arg6[%add3A_86, %dma_wait3A_89] : memref<200x50xi32, #tpu.memory_space<vmem>> -> memref<1x50xi32, #tpu.memory_space<vmem>>
      %dma_wait3A_91 = tpu.memref_squeeze %dma_wait3A_90 : memref<1x50xi32, #tpu.memory_space<vmem>> -> memref<50xi32, #tpu.memory_space<vmem>>
      %dma_wait3A_92 = arith.constant 0 : i32
      %dma_wait3A_93 = tpu.memref_slice %arg2[%mul3A_88, %dma_wait3A_92] : memref<20000x128xf32, #tpu.memory_space<hbm>> -> memref<10000x128xf32, #tpu.memory_space<hbm>>
      %dma_wait3A_94 = arith.constant 0 : i32
      %dma_wait3A_95 = arith.constant 0 : i32
      %dma_wait3A_96 = tpu.memref_slice %dma_wait3A_93[%dma_wait3A_94, %dma_wait3A_95] : memref<10000x128xf32, #tpu.memory_space<hbm>> -> memref<10000x128xf32, #tpu.memory_space<hbm>>
      tpu.wait_indirect_dma semaphore(%arg12 : memref<!tpu.dma_semaphore, #tpu.memory_space<semaphore_mem>>) src(%dma_wait3A_96 : memref<10000x128xf32, #tpu.memory_space<hbm>>) dst(%arg8 : memref<50x128xf32, #tpu.memory_space<vmem>>)
      %dma_start3A_97 = arith.constant 0 : i32
      %dma_start3A_98 = tpu.memref_slice %arg7[%add3A_86, %dma_start3A_97] : memref<200x50xi32, #tpu.memory_space<vmem>> -> memref<1x50xi32, #tpu.memory_space<vmem>>
      %dma_start3A_99 = tpu.memref_squeeze %dma_start3A_98 : memref<1x50xi32, #tpu.memory_space<vmem>> -> memref<50xi32, #tpu.memory_space<vmem>>
      %dma_start3A_100 = arith.constant 0 : i32
      %dma_start3A_101 = arith.constant 0 : i32
      %dma_start3A_102 = tpu.memref_slice %arg20[%dma_start3A_100, %dma_start3A_101] : memref<10000x128xf32, #tpu.memory_space<vmem_shared>> -> memref<10000x128xf32, #tpu.memory_space<vmem_shared>>
      tpu.enqueue_indirect_dma source(%arg8 : memref<50x128xf32, #tpu.memory_space<vmem>>) target(%dma_start3A_102 : memref<10000x128xf32, #tpu.memory_space<vmem_shared>>) offsets(%dma_start3A_99 : memref<50xi32, #tpu.memory_space<vmem>>) semaphore(%arg16 : memref<!tpu.dma_semaphore, #tpu.memory_space<semaphore_mem>>) {add = true}
      %add3A_103 = arith.constant 4 : i32
      %add3A_104 = arith.addi %add3A_86, %add3A_103 : i32
      %lt3A = arith.constant 200 : i32
      %lt3A_105 = arith.cmpi slt, %add3A_104, %lt3A : i32
      %convert_element_type3A_106 = arith.extui %lt3A_105 : i1 to i32
      %cond3A_107 = arith.constant 0 : i32
      %cond3A_108 = arith.cmpi ne, %convert_element_type3A_106, %cond3A_107 : i32
      scf.if %cond3A_108 {
        %dma_wait3A_184 = arith.constant 0 : i32
        %dma_wait3A_185 = tpu.memref_slice %arg7[%add3A_86, %dma_wait3A_184] : memref<200x50xi32, #tpu.memory_space<vmem>> -> memref<1x50xi32, #tpu.memory_space<vmem>>
        %dma_wait3A_186 = tpu.memref_squeeze %dma_wait3A_185 : memref<1x50xi32, #tpu.memory_space<vmem>> -> memref<50xi32, #tpu.memory_space<vmem>>
        %dma_wait3A_187 = arith.constant 0 : i32
        %dma_wait3A_188 = arith.constant 0 : i32
        %dma_wait3A_189 = tpu.memref_slice %arg20[%dma_wait3A_187, %dma_wait3A_188] : memref<10000x128xf32, #tpu.memory_space<vmem_shared>> -> memref<10000x128xf32, #tpu.memory_space<vmem_shared>>
        tpu.wait_indirect_dma semaphore(%arg16 : memref<!tpu.dma_semaphore, #tpu.memory_space<semaphore_mem>>) src(%arg8 : memref<50x128xf32, #tpu.memory_space<vmem>>) dst(%dma_wait3A_189 : memref<10000x128xf32, #tpu.memory_space<vmem_shared>>)
        %mul3A_190 = arith.constant 10000 : i32
        %mul3A_191 = arith.muli %arg0, %mul3A_190 : i32
        %add3A_192 = arith.constant 4 : i32
        %add3A_193 = arith.addi %add3A_86, %add3A_192 : i32
        %dma_start3A_194 = arith.constant 0 : i32
        %dma_start3A_195 = tpu.memref_slice %arg6[%add3A_193, %dma_start3A_194] : memref<200x50xi32, #tpu.memory_space<vmem>> -> memref<1x50xi32, #tpu.memory_space<vmem>>
        %dma_start3A_196 = tpu.memref_squeeze %dma_start3A_195 : memref<1x50xi32, #tpu.memory_space<vmem>> -> memref<50xi32, #tpu.memory_space<vmem>>
        %dma_start3A_197 = arith.constant 0 : i32
        %dma_start3A_198 = tpu.memref_slice %arg2[%mul3A_191, %dma_start3A_197] : memref<20000x128xf32, #tpu.memory_space<hbm>> -> memref<10000x128xf32, #tpu.memory_space<hbm>>
        %dma_start3A_199 = arith.constant 0 : i32
        %dma_start3A_200 = arith.constant 0 : i32
        %dma_start3A_201 = tpu.memref_slice %dma_start3A_198[%dma_start3A_199, %dma_start3A_200] : memref<10000x128xf32, #tpu.memory_space<hbm>> -> memref<10000x128xf32, #tpu.memory_space<hbm>>
        tpu.enqueue_indirect_dma source(%dma_start3A_201 : memref<10000x128xf32, #tpu.memory_space<hbm>>) target(%arg8 : memref<50x128xf32, #tpu.memory_space<vmem>>) offsets(%dma_start3A_196 : memref<50xi32, #tpu.memory_space<vmem>>) semaphore(%arg12 : memref<!tpu.dma_semaphore, #tpu.memory_space<semaphore_mem>>)
      } else {
      }
      %add3A_109 = arith.constant 1 : i32
      %add3A_110 = arith.addi %add3A_84, %add3A_109 : i32
      %mul3A_111 = arith.constant 10000 : i32
      %mul3A_112 = arith.muli %arg0, %mul3A_111 : i32
      %dma_wait3A_113 = arith.constant 0 : i32
      %dma_wait3A_114 = tpu.memref_slice %arg6[%add3A_110, %dma_wait3A_113] : memref<200x50xi32, #tpu.memory_space<vmem>> -> memref<1x50xi32, #tpu.memory_space<vmem>>
      %dma_wait3A_115 = tpu.memref_squeeze %dma_wait3A_114 : memref<1x50xi32, #tpu.memory_space<vmem>> -> memref<50xi32, #tpu.memory_space<vmem>>
      %dma_wait3A_116 = arith.constant 0 : i32
      %dma_wait3A_117 = tpu.memref_slice %arg2[%mul3A_112, %dma_wait3A_116] : memref<20000x128xf32, #tpu.memory_space<hbm>> -> memref<10000x128xf32, #tpu.memory_space<hbm>>
      %dma_wait3A_118 = arith.constant 0 : i32
      %dma_wait3A_119 = arith.constant 0 : i32
      %dma_wait3A_120 = tpu.memref_slice %dma_wait3A_117[%dma_wait3A_118, %dma_wait3A_119] : memref<10000x128xf32, #tpu.memory_space<hbm>> -> memref<10000x128xf32, #tpu.memory_space<hbm>>
      tpu.wait_indirect_dma semaphore(%arg13 : memref<!tpu.dma_semaphore, #tpu.memory_space<semaphore_mem>>) src(%dma_wait3A_120 : memref<10000x128xf32, #tpu.memory_space<hbm>>) dst(%arg9 : memref<50x128xf32, #tpu.memory_space<vmem>>)
      %dma_start3A_121 = arith.constant 0 : i32
      %dma_start3A_122 = tpu.memref_slice %arg7[%add3A_110, %dma_start3A_121] : memref<200x50xi32, #tpu.memory_space<vmem>> -> memref<1x50xi32, #tpu.memory_space<vmem>>
      %dma_start3A_123 = tpu.memref_squeeze %dma_start3A_122 : memref<1x50xi32, #tpu.memory_space<vmem>> -> memref<50xi32, #tpu.memory_space<vmem>>
      %dma_start3A_124 = arith.constant 0 : i32
      %dma_start3A_125 = arith.constant 0 : i32
      %dma_start3A_126 = tpu.memref_slice %arg20[%dma_start3A_124, %dma_start3A_125] : memref<10000x128xf32, #tpu.memory_space<vmem_shared>> -> memref<10000x128xf32, #tpu.memory_space<vmem_shared>>
      tpu.enqueue_indirect_dma source(%arg9 : memref<50x128xf32, #tpu.memory_space<vmem>>) target(%dma_start3A_126 : memref<10000x128xf32, #tpu.memory_space<vmem_shared>>) offsets(%dma_start3A_123 : memref<50xi32, #tpu.memory_space<vmem>>) semaphore(%arg17 : memref<!tpu.dma_semaphore, #tpu.memory_space<semaphore_mem>>) {add = true}
      %add3A_127 = arith.constant 4 : i32
      %add3A_128 = arith.addi %add3A_110, %add3A_127 : i32
      %lt3A_129 = arith.constant 200 : i32
      %lt3A_130 = arith.cmpi slt, %add3A_128, %lt3A_129 : i32
      %convert_element_type3A_131 = arith.extui %lt3A_130 : i1 to i32
      %cond3A_132 = arith.constant 0 : i32
      %cond3A_133 = arith.cmpi ne, %convert_element_type3A_131, %cond3A_132 : i32
      scf.if %cond3A_133 {
        %dma_wait3A_184 = arith.constant 0 : i32
        %dma_wait3A_185 = tpu.memref_slice %arg7[%add3A_110, %dma_wait3A_184] : memref<200x50xi32, #tpu.memory_space<vmem>> -> memref<1x50xi32, #tpu.memory_space<vmem>>
        %dma_wait3A_186 = tpu.memref_squeeze %dma_wait3A_185 : memref<1x50xi32, #tpu.memory_space<vmem>> -> memref<50xi32, #tpu.memory_space<vmem>>
        %dma_wait3A_187 = arith.constant 0 : i32
        %dma_wait3A_188 = arith.constant 0 : i32
        %dma_wait3A_189 = tpu.memref_slice %arg20[%dma_wait3A_187, %dma_wait3A_188] : memref<10000x128xf32, #tpu.memory_space<vmem_shared>> -> memref<10000x128xf32, #tpu.memory_space<vmem_shared>>
        tpu.wait_indirect_dma semaphore(%arg17 : memref<!tpu.dma_semaphore, #tpu.memory_space<semaphore_mem>>) src(%arg9 : memref<50x128xf32, #tpu.memory_space<vmem>>) dst(%dma_wait3A_189 : memref<10000x128xf32, #tpu.memory_space<vmem_shared>>)
        %mul3A_190 = arith.constant 10000 : i32
        %mul3A_191 = arith.muli %arg0, %mul3A_190 : i32
        %add3A_192 = arith.constant 4 : i32
        %add3A_193 = arith.addi %add3A_110, %add3A_192 : i32
        %dma_start3A_194 = arith.constant 0 : i32
        %dma_start3A_195 = tpu.memref_slice %arg6[%add3A_193, %dma_start3A_194] : memref<200x50xi32, #tpu.memory_space<vmem>> -> memref<1x50xi32, #tpu.memory_space<vmem>>
        %dma_start3A_196 = tpu.memref_squeeze %dma_start3A_195 : memref<1x50xi32, #tpu.memory_space<vmem>> -> memref<50xi32, #tpu.memory_space<vmem>>
        %dma_start3A_197 = arith.constant 0 : i32
        %dma_start3A_198 = tpu.memref_slice %arg2[%mul3A_191, %dma_start3A_197] : memref<20000x128xf32, #tpu.memory_space<hbm>> -> memref<10000x128xf32, #tpu.memory_space<hbm>>
        %dma_start3A_199 = arith.constant 0 : i32
        %dma_start3A_200 = arith.constant 0 : i32
        %dma_start3A_201 = tpu.memref_slice %dma_start3A_198[%dma_start3A_199, %dma_start3A_200] : memref<10000x128xf32, #tpu.memory_space<hbm>> -> memref<10000x128xf32, #tpu.memory_space<hbm>>
        tpu.enqueue_indirect_dma source(%dma_start3A_201 : memref<10000x128xf32, #tpu.memory_space<hbm>>) target(%arg9 : memref<50x128xf32, #tpu.memory_space<vmem>>) offsets(%dma_start3A_196 : memref<50xi32, #tpu.memory_space<vmem>>) semaphore(%arg13 : memref<!tpu.dma_semaphore, #tpu.memory_space<semaphore_mem>>)
      } else {
      }
      %add3A_134 = arith.constant 2 : i32
      %add3A_135 = arith.addi %add3A_84, %add3A_134 : i32
      %mul3A_136 = arith.constant 10000 : i32
      %mul3A_137 = arith.muli %arg0, %mul3A_136 : i32
      %dma_wait3A_138 = arith.constant 0 : i32
      %dma_wait3A_139 = tpu.memref_slice %arg6[%add3A_135, %dma_wait3A_138] : memref<200x50xi32, #tpu.memory_space<vmem>> -> memref<1x50xi32, #tpu.memory_space<vmem>>
      %dma_wait3A_140 = tpu.memref_squeeze %dma_wait3A_139 : memref<1x50xi32, #tpu.memory_space<vmem>> -> memref<50xi32, #tpu.memory_space<vmem>>
      %dma_wait3A_141 = arith.constant 0 : i32
      %dma_wait3A_142 = tpu.memref_slice %arg2[%mul3A_137, %dma_wait3A_141] : memref<20000x128xf32, #tpu.memory_space<hbm>> -> memref<10000x128xf32, #tpu.memory_space<hbm>>
      %dma_wait3A_143 = arith.constant 0 : i32
      %dma_wait3A_144 = arith.constant 0 : i32
      %dma_wait3A_145 = tpu.memref_slice %dma_wait3A_142[%dma_wait3A_143, %dma_wait3A_144] : memref<10000x128xf32, #tpu.memory_space<hbm>> -> memref<10000x128xf32, #tpu.memory_space<hbm>>
      tpu.wait_indirect_dma semaphore(%arg14 : memref<!tpu.dma_semaphore, #tpu.memory_space<semaphore_mem>>) src(%dma_wait3A_145 : memref<10000x128xf32, #tpu.memory_space<hbm>>) dst(%arg10 : memref<50x128xf32, #tpu.memory_space<vmem>>)
      %dma_start3A_146 = arith.constant 0 : i32
      %dma_start3A_147 = tpu.memref_slice %arg7[%add3A_135, %dma_start3A_146] : memref<200x50xi32, #tpu.memory_space<vmem>> -> memref<1x50xi32, #tpu.memory_space<vmem>>
      %dma_start3A_148 = tpu.memref_squeeze %dma_start3A_147 : memref<1x50xi32, #tpu.memory_space<vmem>> -> memref<50xi32, #tpu.memory_space<vmem>>
      %dma_start3A_149 = arith.constant 0 : i32
      %dma_start3A_150 = arith.constant 0 : i32
      %dma_start3A_151 = tpu.memref_slice %arg20[%dma_start3A_149, %dma_start3A_150] : memref<10000x128xf32, #tpu.memory_space<vmem_shared>> -> memref<10000x128xf32, #tpu.memory_space<vmem_shared>>
      tpu.enqueue_indirect_dma source(%arg10 : memref<50x128xf32, #tpu.memory_space<vmem>>) target(%dma_start3A_151 : memref<10000x128xf32, #tpu.memory_space<vmem_shared>>) offsets(%dma_start3A_148 : memref<50xi32, #tpu.memory_space<vmem>>) semaphore(%arg18 : memref<!tpu.dma_semaphore, #tpu.memory_space<semaphore_mem>>) {add = true}
      %add3A_152 = arith.constant 4 : i32
      %add3A_153 = arith.addi %add3A_135, %add3A_152 : i32
      %lt3A_154 = arith.constant 200 : i32
      %lt3A_155 = arith.cmpi slt, %add3A_153, %lt3A_154 : i32
      %convert_element_type3A_156 = arith.extui %lt3A_155 : i1 to i32
      %cond3A_157 = arith.constant 0 : i32
      %cond3A_158 = arith.cmpi ne, %convert_element_type3A_156, %cond3A_157 : i32
      scf.if %cond3A_158 {
        %dma_wait3A_184 = arith.constant 0 : i32
        %dma_wait3A_185 = tpu.memref_slice %arg7[%add3A_135, %dma_wait3A_184] : memref<200x50xi32, #tpu.memory_space<vmem>> -> memref<1x50xi32, #tpu.memory_space<vmem>>
        %dma_wait3A_186 = tpu.memref_squeeze %dma_wait3A_185 : memref<1x50xi32, #tpu.memory_space<vmem>> -> memref<50xi32, #tpu.memory_space<vmem>>
        %dma_wait3A_187 = arith.constant 0 : i32
        %dma_wait3A_188 = arith.constant 0 : i32
        %dma_wait3A_189 = tpu.memref_slice %arg20[%dma_wait3A_187, %dma_wait3A_188] : memref<10000x128xf32, #tpu.memory_space<vmem_shared>> -> memref<10000x128xf32, #tpu.memory_space<vmem_shared>>
        tpu.wait_indirect_dma semaphore(%arg18 : memref<!tpu.dma_semaphore, #tpu.memory_space<semaphore_mem>>) src(%arg10 : memref<50x128xf32, #tpu.memory_space<vmem>>) dst(%dma_wait3A_189 : memref<10000x128xf32, #tpu.memory_space<vmem_shared>>)
        %mul3A_190 = arith.constant 10000 : i32
        %mul3A_191 = arith.muli %arg0, %mul3A_190 : i32
        %add3A_192 = arith.constant 4 : i32
        %add3A_193 = arith.addi %add3A_135, %add3A_192 : i32
        %dma_start3A_194 = arith.constant 0 : i32
        %dma_start3A_195 = tpu.memref_slice %arg6[%add3A_193, %dma_start3A_194] : memref<200x50xi32, #tpu.memory_space<vmem>> -> memref<1x50xi32, #tpu.memory_space<vmem>>
        %dma_start3A_196 = tpu.memref_squeeze %dma_start3A_195 : memref<1x50xi32, #tpu.memory_space<vmem>> -> memref<50xi32, #tpu.memory_space<vmem>>
        %dma_start3A_197 = arith.constant 0 : i32
        %dma_start3A_198 = tpu.memref_slice %arg2[%mul3A_191, %dma_start3A_197] : memref<20000x128xf32, #tpu.memory_space<hbm>> -> memref<10000x128xf32, #tpu.memory_space<hbm>>
        %dma_start3A_199 = arith.constant 0 : i32
        %dma_start3A_200 = arith.constant 0 : i32
        %dma_start3A_201 = tpu.memref_slice %dma_start3A_198[%dma_start3A_199, %dma_start3A_200] : memref<10000x128xf32, #tpu.memory_space<hbm>> -> memref<10000x128xf32, #tpu.memory_space<hbm>>
        tpu.enqueue_indirect_dma source(%dma_start3A_201 : memref<10000x128xf32, #tpu.memory_space<hbm>>) target(%arg10 : memref<50x128xf32, #tpu.memory_space<vmem>>) offsets(%dma_start3A_196 : memref<50xi32, #tpu.memory_space<vmem>>) semaphore(%arg14 : memref<!tpu.dma_semaphore, #tpu.memory_space<semaphore_mem>>)
      } else {
      }
      %add3A_159 = arith.constant 3 : i32
      %add3A_160 = arith.addi %add3A_84, %add3A_159 : i32
      %mul3A_161 = arith.constant 10000 : i32
      %mul3A_162 = arith.muli %arg0, %mul3A_161 : i32
      %dma_wait3A_163 = arith.constant 0 : i32
      %dma_wait3A_164 = tpu.memref_slice %arg6[%add3A_160, %dma_wait3A_163] : memref<200x50xi32, #tpu.memory_space<vmem>> -> memref<1x50xi32, #tpu.memory_space<vmem>>
      %dma_wait3A_165 = tpu.memref_squeeze %dma_wait3A_164 : memref<1x50xi32, #tpu.memory_space<vmem>> -> memref<50xi32, #tpu.memory_space<vmem>>
      %dma_wait3A_166 = arith.constant 0 : i32
      %dma_wait3A_167 = tpu.memref_slice %arg2[%mul3A_162, %dma_wait3A_166] : memref<20000x128xf32, #tpu.memory_space<hbm>> -> memref<10000x128xf32, #tpu.memory_space<hbm>>
      %dma_wait3A_168 = arith.constant 0 : i32
      %dma_wait3A_169 = arith.constant 0 : i32
      %dma_wait3A_170 = tpu.memref_slice %dma_wait3A_167[%dma_wait3A_168, %dma_wait3A_169] : memref<10000x128xf32, #tpu.memory_space<hbm>> -> memref<10000x128xf32, #tpu.memory_space<hbm>>
      tpu.wait_indirect_dma semaphore(%arg15 : memref<!tpu.dma_semaphore, #tpu.memory_space<semaphore_mem>>) src(%dma_wait3A_170 : memref<10000x128xf32, #tpu.memory_space<hbm>>) dst(%arg11 : memref<50x128xf32, #tpu.memory_space<vmem>>)
      %dma_start3A_171 = arith.constant 0 : i32
      %dma_start3A_172 = tpu.memref_slice %arg7[%add3A_160, %dma_start3A_171] : memref<200x50xi32, #tpu.memory_space<vmem>> -> memref<1x50xi32, #tpu.memory_space<vmem>>
      %dma_start3A_173 = tpu.memref_squeeze %dma_start3A_172 : memref<1x50xi32, #tpu.memory_space<vmem>> -> memref<50xi32, #tpu.memory_space<vmem>>
      %dma_start3A_174 = arith.constant 0 : i32
      %dma_start3A_175 = arith.constant 0 : i32
      %dma_start3A_176 = tpu.memref_slice %arg20[%dma_start3A_174, %dma_start3A_175] : memref<10000x128xf32, #tpu.memory_space<vmem_shared>> -> memref<10000x128xf32, #tpu.memory_space<vmem_shared>>
      tpu.enqueue_indirect_dma source(%arg11 : memref<50x128xf32, #tpu.memory_space<vmem>>) target(%dma_start3A_176 : memref<10000x128xf32, #tpu.memory_space<vmem_shared>>) offsets(%dma_start3A_173 : memref<50xi32, #tpu.memory_space<vmem>>) semaphore(%arg19 : memref<!tpu.dma_semaphore, #tpu.memory_space<semaphore_mem>>) {add = true}
      %add3A_177 = arith.constant 4 : i32
      %add3A_178 = arith.addi %add3A_160, %add3A_177 : i32
      %lt3A_179 = arith.constant 200 : i32
      %lt3A_180 = arith.cmpi slt, %add3A_178, %lt3A_179 : i32
      %convert_element_type3A_181 = arith.extui %lt3A_180 : i1 to i32
      %cond3A_182 = arith.constant 0 : i32
      %cond3A_183 = arith.cmpi ne, %convert_element_type3A_181, %cond3A_182 : i32
      scf.if %cond3A_183 {
        %dma_wait3A_184 = arith.constant 0 : i32
        %dma_wait3A_185 = tpu.memref_slice %arg7[%add3A_160, %dma_wait3A_184] : memref<200x50xi32, #tpu.memory_space<vmem>> -> memref<1x50xi32, #tpu.memory_space<vmem>>
        %dma_wait3A_186 = tpu.memref_squeeze %dma_wait3A_185 : memref<1x50xi32, #tpu.memory_space<vmem>> -> memref<50xi32, #tpu.memory_space<vmem>>
        %dma_wait3A_187 = arith.constant 0 : i32
        %dma_wait3A_188 = arith.constant 0 : i32
        %dma_wait3A_189 = tpu.memref_slice %arg20[%dma_wait3A_187, %dma_wait3A_188] : memref<10000x128xf32, #tpu.memory_space<vmem_shared>> -> memref<10000x128xf32, #tpu.memory_space<vmem_shared>>
        tpu.wait_indirect_dma semaphore(%arg19 : memref<!tpu.dma_semaphore, #tpu.memory_space<semaphore_mem>>) src(%arg11 : memref<50x128xf32, #tpu.memory_space<vmem>>) dst(%dma_wait3A_189 : memref<10000x128xf32, #tpu.memory_space<vmem_shared>>)
        %mul3A_190 = arith.constant 10000 : i32
        %mul3A_191 = arith.muli %arg0, %mul3A_190 : i32
        %add3A_192 = arith.constant 4 : i32
        %add3A_193 = arith.addi %add3A_160, %add3A_192 : i32
        %dma_start3A_194 = arith.constant 0 : i32
        %dma_start3A_195 = tpu.memref_slice %arg6[%add3A_193, %dma_start3A_194] : memref<200x50xi32, #tpu.memory_space<vmem>> -> memref<1x50xi32, #tpu.memory_space<vmem>>
        %dma_start3A_196 = tpu.memref_squeeze %dma_start3A_195 : memref<1x50xi32, #tpu.memory_space<vmem>> -> memref<50xi32, #tpu.memory_space<vmem>>
        %dma_start3A_197 = arith.constant 0 : i32
        %dma_start3A_198 = tpu.memref_slice %arg2[%mul3A_191, %dma_start3A_197] : memref<20000x128xf32, #tpu.memory_space<hbm>> -> memref<10000x128xf32, #tpu.memory_space<hbm>>
        %dma_start3A_199 = arith.constant 0 : i32
        %dma_start3A_200 = arith.constant 0 : i32
        %dma_start3A_201 = tpu.memref_slice %dma_start3A_198[%dma_start3A_199, %dma_start3A_200] : memref<10000x128xf32, #tpu.memory_space<hbm>> -> memref<10000x128xf32, #tpu.memory_space<hbm>>
        tpu.enqueue_indirect_dma source(%dma_start3A_201 : memref<10000x128xf32, #tpu.memory_space<hbm>>) target(%arg11 : memref<50x128xf32, #tpu.memory_space<vmem>>) offsets(%dma_start3A_196 : memref<50xi32, #tpu.memory_space<vmem>>) semaphore(%arg15 : memref<!tpu.dma_semaphore, #tpu.memory_space<semaphore_mem>>)
      } else {
      }
    }
    %scan3A_47 = arith.constant 50 : i32
    %dma_wait3A = arith.constant 0 : i32
    %dma_wait3A_48 = arith.constant 0 : i32
    %dma_wait3A_49 = tpu.memref_slice %arg7[%dma_wait3A, %dma_wait3A_48] : memref<200x50xi32, #tpu.memory_space<vmem>> -> memref<1x50xi32, #tpu.memory_space<vmem>>
    %dma_wait3A_50 = tpu.memref_squeeze %dma_wait3A_49 : memref<1x50xi32, #tpu.memory_space<vmem>> -> memref<50xi32, #tpu.memory_space<vmem>>
    %dma_wait3A_51 = arith.constant 0 : i32
    %dma_wait3A_52 = arith.constant 0 : i32
    %dma_wait3A_53 = tpu.memref_slice %arg20[%dma_wait3A_51, %dma_wait3A_52] : memref<10000x128xf32, #tpu.memory_space<vmem_shared>> -> memref<10000x128xf32, #tpu.memory_space<vmem_shared>>
    tpu.wait_indirect_dma semaphore(%arg16 : memref<!tpu.dma_semaphore, #tpu.memory_space<semaphore_mem>>) src(%arg8 : memref<50x128xf32, #tpu.memory_space<vmem>>) dst(%dma_wait3A_53 : memref<10000x128xf32, #tpu.memory_space<vmem_shared>>)
    %dma_wait3A_54 = arith.constant 1 : i32
    %dma_wait3A_55 = arith.constant 0 : i32
    %dma_wait3A_56 = tpu.memref_slice %arg7[%dma_wait3A_54, %dma_wait3A_55] : memref<200x50xi32, #tpu.memory_space<vmem>> -> memref<1x50xi32, #tpu.memory_space<vmem>>
    %dma_wait3A_57 = tpu.memref_squeeze %dma_wait3A_56 : memref<1x50xi32, #tpu.memory_space<vmem>> -> memref<50xi32, #tpu.memory_space<vmem>>
    %dma_wait3A_58 = arith.constant 0 : i32
    %dma_wait3A_59 = arith.constant 0 : i32
    %dma_wait3A_60 = tpu.memref_slice %arg20[%dma_wait3A_58, %dma_wait3A_59] : memref<10000x128xf32, #tpu.memory_space<vmem_shared>> -> memref<10000x128xf32, #tpu.memory_space<vmem_shared>>
    tpu.wait_indirect_dma semaphore(%arg17 : memref<!tpu.dma_semaphore, #tpu.memory_space<semaphore_mem>>) src(%arg9 : memref<50x128xf32, #tpu.memory_space<vmem>>) dst(%dma_wait3A_60 : memref<10000x128xf32, #tpu.memory_space<vmem_shared>>)
    %dma_wait3A_61 = arith.constant 2 : i32
    %dma_wait3A_62 = arith.constant 0 : i32
    %dma_wait3A_63 = tpu.memref_slice %arg7[%dma_wait3A_61, %dma_wait3A_62] : memref<200x50xi32, #tpu.memory_space<vmem>> -> memref<1x50xi32, #tpu.memory_space<vmem>>
    %dma_wait3A_64 = tpu.memref_squeeze %dma_wait3A_63 : memref<1x50xi32, #tpu.memory_space<vmem>> -> memref<50xi32, #tpu.memory_space<vmem>>
    %dma_wait3A_65 = arith.constant 0 : i32
    %dma_wait3A_66 = arith.constant 0 : i32
    %dma_wait3A_67 = tpu.memref_slice %arg20[%dma_wait3A_65, %dma_wait3A_66] : memref<10000x128xf32, #tpu.memory_space<vmem_shared>> -> memref<10000x128xf32, #tpu.memory_space<vmem_shared>>
    tpu.wait_indirect_dma semaphore(%arg18 : memref<!tpu.dma_semaphore, #tpu.memory_space<semaphore_mem>>) src(%arg10 : memref<50x128xf32, #tpu.memory_space<vmem>>) dst(%dma_wait3A_67 : memref<10000x128xf32, #tpu.memory_space<vmem_shared>>)
    %dma_wait3A_68 = arith.constant 3 : i32
    %dma_wait3A_69 = arith.constant 0 : i32
    %dma_wait3A_70 = tpu.memref_slice %arg7[%dma_wait3A_68, %dma_wait3A_69] : memref<200x50xi32, #tpu.memory_space<vmem>> -> memref<1x50xi32, #tpu.memory_space<vmem>>
    %dma_wait3A_71 = tpu.memref_squeeze %dma_wait3A_70 : memref<1x50xi32, #tpu.memory_space<vmem>> -> memref<50xi32, #tpu.memory_space<vmem>>
    %dma_wait3A_72 = arith.constant 0 : i32
    %dma_wait3A_73 = arith.constant 0 : i32
    %dma_wait3A_74 = tpu.memref_slice %arg20[%dma_wait3A_72, %dma_wait3A_73] : memref<10000x128xf32, #tpu.memory_space<vmem_shared>> -> memref<10000x128xf32, #tpu.memory_space<vmem_shared>>
    tpu.wait_indirect_dma semaphore(%arg19 : memref<!tpu.dma_semaphore, #tpu.memory_space<semaphore_mem>>) src(%arg11 : memref<50x128xf32, #tpu.memory_space<vmem>>) dst(%dma_wait3A_74 : memref<10000x128xf32, #tpu.memory_space<vmem_shared>>)
    %barrier3A_75 = arith.constant 0 : index
    tpu.barrier barrier_id(%barrier3A_75)
    %eq3A_76 = arith.constant 0 : i32
    %eq3A_77 = arith.cmpi eq, %arg1, %eq3A_76 : i32
    %convert_element_type3A_78 = arith.extui %eq3A_77 : i1 to i32
    %cond3A_79 = arith.constant 0 : i32
    %cond3A_80 = arith.cmpi ne, %convert_element_type3A_78, %cond3A_79 : i32
    scf.if %cond3A_80 {
      %mul3A_81 = arith.constant 10000 : i32
      %mul3A_82 = arith.muli %arg0, %mul3A_81 : i32
      "tpu.region"() ({
        %run_scoped3A = tpu.sem_alloc : memref<!tpu.dma_semaphore, #tpu.memory_space<semaphore_mem>>
        %dma_start3A_83 = arith.constant 0 : i32
        %dma_start3A_84 = tpu.memref_slice %arg5[%mul3A_82, %dma_start3A_83] : memref<20000x128xf32, #tpu.memory_space<hbm>> -> memref<10000x128xf32, #tpu.memory_space<hbm>>
        tpu.enqueue_dma source(%arg20 : memref<10000x128xf32, #tpu.memory_space<vmem_shared>>) target(%dma_start3A_84 : memref<10000x128xf32, #tpu.memory_space<hbm>>) target_semaphore(%run_scoped3A : memref<!tpu.dma_semaphore, #tpu.memory_space<semaphore_mem>>)
        %dma_wait3A_85 = arith.constant 0 : i32
        %dma_wait3A_86 = tpu.memref_slice %arg5[%mul3A_82, %dma_wait3A_85] : memref<20000x128xf32, #tpu.memory_space<hbm>> -> memref<10000x128xf32, #tpu.memory_space<hbm>>
        tpu.wait_dma2 semaphore(%run_scoped3A : memref<!tpu.dma_semaphore, #tpu.memory_space<semaphore_mem>>) src(%arg20 : memref<10000x128xf32, #tpu.memory_space<vmem_shared>>) dst(%dma_wait3A_86 : memref<10000x128xf32, #tpu.memory_space<hbm>>)
        tpu.yield
      }) : () -> ()
    } else {
    }
    return
  }
}

module attributes {stable_mosaic.version = 14 : i64} {
  func.func @_mm1_body(%arg0: i32, %arg1: memref<1000x256xf32, #tpu.memory_space<vmem>>, %arg2: memref<256x256xf32, #tpu.memory_space<vmem>>, %arg3: memref<1x2x1000xf32, #tpu.memory_space<vmem>>, %arg4: memref<2x1000x128xf32, #tpu.memory_space<vmem>>) attributes {dimension_semantics = [#tpu.dimension_semantics<arbitrary>], iteration_bounds = array<i64: 10>, scalar_prefetch = 0 : i64, scratch_operands = 0 : i64, tpu.core_type = #tpu.core_type<tc>, window_params = [{transform_indices = @transform_0, window_bounds = array<i64: 1000, 256>}, {pipeline_mode = #tpu.pipeline_mode<synchronous>, transform_indices = @transform_1, window_bounds = array<i64: 256, 256>}, {transform_indices = @transform_2, window_bounds = array<i64: 1, 2, 1000>}, {transform_indices = @transform_3, window_bounds = array<i64: 2, 1000, 128>}]} {
    %get3A = arith.constant 0 : index
    %get3A_0 = arith.constant 0 : index
    %get3A_1 = arith.constant 0 : index
    %get3A_2 = vector.load %arg3[%get3A, %get3A_0, %get3A_1] : memref<1x2x1000xf32, #tpu.memory_space<vmem>>, vector<1x1x1000xf32>
    %get3A_3 = vector.shape_cast %get3A_2 : vector<1x1x1000xf32> to vector<1x1000xf32>
    %get3A_4 = arith.constant 0 : index
    %get3A_5 = arith.constant 1 : index
    %get3A_6 = arith.constant 0 : index
    %get3A_7 = vector.load %arg3[%get3A_4, %get3A_5, %get3A_6] : memref<1x2x1000xf32, #tpu.memory_space<vmem>>, vector<1x1x1000xf32>
    %get3A_8 = vector.shape_cast %get3A_7 : vector<1x1x1000xf32> to vector<1x1000xf32>
    %add3A = arith.addf %get3A_3, %get3A_8 : vector<1x1000xf32>
    %add3A_9 = arith.constant 1.000000e+00 : f32
    %add3A_10 = vector.broadcast %add3A_9 : f32 to vector<1x1000xf32>
    %add3A_11 = arith.addf %add3A, %add3A_10 : vector<1x1000xf32>
    %rsqrt3A = math.rsqrt %add3A_11 : vector<1x1000xf32>
    %broadcast_in_dim3A = arith.constant 1.000000e+00 : f32
    %broadcast_in_dim3A_12 = vector.broadcast %broadcast_in_dim3A : f32 to vector<1x128xf32>
    %dot_general3A = arith.constant dense<0.000000e+00> : vector<1000x128xf32>
    %dot_general3A_13 = tpu.matmul %rsqrt3A, %broadcast_in_dim3A_12, %dot_general3A {dimension_numbers = #tpu.dot_dimension_numbers<[0], [0], [1], [1], [0, 1, 1, 1], [], []>, transpose_lhs_hint = false} : vector<1x1000xf32>, vector<1x128xf32>, vector<1000x128xf32> -> vector<1000x128xf32>
    %get3A_14 = arith.constant 0 : index
    %get3A_15 = arith.constant 0 : index
    %get3A_16 = vector.load %arg1[%get3A_14, %get3A_15] : memref<1000x256xf32, #tpu.memory_space<vmem>>, vector<1000x256xf32>
    %get3A_17 = arith.constant 0 : index
    %get3A_18 = arith.constant 0 : index
    %get3A_19 = vector.load %arg2[%get3A_17, %get3A_18] : memref<256x256xf32, #tpu.memory_space<vmem>>, vector<256x256xf32>
    %dot_general3A_20 = arith.constant dense<0.000000e+00> : vector<1000x256xf32>
    %dot_general3A_21 = tpu.matmul %get3A_16, %get3A_19, %dot_general3A_20 {dimension_numbers = #tpu.dot_dimension_numbers<[1], [0], [0], [1], [0, 0, 1, 1], [], []>, transpose_lhs_hint = false} : vector<1000x256xf32>, vector<256x256xf32>, vector<1000x256xf32> -> vector<1000x256xf32>
    %slice3A = vector.extract_strided_slice %dot_general3A_21 {offsets = [0, 0], sizes = [1000, 128], strides = [1, 1]} : vector<1000x256xf32> to vector<1000x128xf32>
    %mul3A = arith.mulf %slice3A, %dot_general3A_13 : vector<1000x128xf32>
    %swap3A = arith.constant 0 : index
    %swap3A_22 = arith.constant 0 : index
    %swap3A_23 = arith.constant 0 : index
    %swap3A_24 = vector.load %arg4[%swap3A, %swap3A_22, %swap3A_23] : memref<2x1000x128xf32, #tpu.memory_space<vmem>>, vector<1x1000x128xf32>
    %swap3A_25 = vector.shape_cast %swap3A_24 : vector<1x1000x128xf32> to vector<1000x128xf32>
    %swap3A_26 = vector.shape_cast %mul3A : vector<1000x128xf32> to vector<1x1000x128xf32>
    tpu.vector_store %arg4[%swap3A, %swap3A_22, %swap3A_23], %swap3A_26 {strides = array<i32>} : memref<2x1000x128xf32, #tpu.memory_space<vmem>>, vector<1x1000x128xf32>,
    %slice3A_27 = vector.extract_strided_slice %dot_general3A_21 {offsets = [0, 128], sizes = [1000, 128], strides = [1, 1]} : vector<1000x256xf32> to vector<1000x128xf32>
    %mul3A_28 = arith.mulf %slice3A_27, %dot_general3A_13 : vector<1000x128xf32>
    %swap3A_29 = arith.constant 1 : index
    %swap3A_30 = arith.constant 0 : index
    %swap3A_31 = arith.constant 0 : index
    %swap3A_32 = vector.load %arg4[%swap3A_29, %swap3A_30, %swap3A_31] : memref<2x1000x128xf32, #tpu.memory_space<vmem>>, vector<1x1000x128xf32>
    %swap3A_33 = vector.shape_cast %swap3A_32 : vector<1x1000x128xf32> to vector<1000x128xf32>
    %swap3A_34 = vector.shape_cast %mul3A_28 : vector<1000x128xf32> to vector<1x1000x128xf32>
    tpu.vector_store %arg4[%swap3A_29, %swap3A_30, %swap3A_31], %swap3A_34 {strides = array<i32>} : memref<2x1000x128xf32, #tpu.memory_space<vmem>>, vector<1x1000x128xf32>,
    return
  }
  func.func @transform_0(%arg0: i32) -> (i32, i32) {
    %c0_i32 = arith.constant 0 : i32
    %c0_i32_0 = arith.constant 0 : i32
    return %arg0, %c0_i32 : i32, i32
  }
  func.func @transform_1(%arg0: i32) -> (i32, i32) {
    %c0_i32 = arith.constant 0 : i32
    %c0_i32_0 = arith.constant 0 : i32
    %c0_i32_1 = arith.constant 0 : i32
    return %c0_i32, %c0_i32_0 : i32, i32
  }
  func.func @transform_2(%arg0: i32) -> (i32, i32, i32) {
    %c0_i32 = arith.constant 0 : i32
    %c0_i32_0 = arith.constant 0 : i32
    %c0_i32_1 = arith.constant 0 : i32
    return %arg0, %c0_i32, %c0_i32_0 : i32, i32, i32
  }
  func.func @transform_3(%arg0: i32) -> (i32, i32, i32) {
    %c0_i32 = arith.constant 0 : i32
    %c0_i32_0 = arith.constant 0 : i32
    %c0_i32_1 = arith.constant 0 : i32
    return %c0_i32, %arg0, %c0_i32_0 : i32, i32, i32
  }
}

module attributes {stable_mosaic.version = 14 : i64} {
  func.func @_mm2_body(%arg0: i32, %arg1: memref<2x1000x128xf32, #tpu.memory_space<vmem>>, %arg2: memref<1x2x1000xf32, #tpu.memory_space<vmem>>, %arg3: memref<1x256xf32, #tpu.memory_space<vmem>>, %arg4: memref<256x40xf32, #tpu.memory_space<vmem>>, %arg5: memref<2x1000x40xf32, #tpu.memory_space<vmem>>) attributes {dimension_semantics = [#tpu.dimension_semantics<arbitrary>], iteration_bounds = array<i64: 10>, scalar_prefetch = 0 : i64, scratch_operands = 0 : i64, tpu.core_type = #tpu.core_type<tc>, window_params = [{transform_indices = @transform_0, window_bounds = array<i64: 2, 1000, 128>}, {transform_indices = @transform_1, window_bounds = array<i64: 1, 2, 1000>}, {pipeline_mode = #tpu.pipeline_mode<synchronous>, transform_indices = @transform_2, window_bounds = array<i64: 1, 256>}, {pipeline_mode = #tpu.pipeline_mode<synchronous>, transform_indices = @transform_3, window_bounds = array<i64: 256, 40>}, {transform_indices = @transform_4, window_bounds = array<i64: 2, 1000, 40>}]} {
    %get3A = arith.constant 0 : index
    %get3A_0 = arith.constant 0 : index
    %get3A_1 = arith.constant 0 : index
    %get3A_2 = vector.load %arg2[%get3A, %get3A_0, %get3A_1] : memref<1x2x1000xf32, #tpu.memory_space<vmem>>, vector<1x1x1000xf32>
    %get3A_3 = vector.shape_cast %get3A_2 : vector<1x1x1000xf32> to vector<1x1000xf32>
    %get3A_4 = arith.constant 0 : index
    %get3A_5 = arith.constant 1 : index
    %get3A_6 = arith.constant 0 : index
    %get3A_7 = vector.load %arg2[%get3A_4, %get3A_5, %get3A_6] : memref<1x2x1000xf32, #tpu.memory_space<vmem>>, vector<1x1x1000xf32>
    %get3A_8 = vector.shape_cast %get3A_7 : vector<1x1x1000xf32> to vector<1x1000xf32>
    %add3A = arith.addf %get3A_3, %get3A_8 : vector<1x1000xf32>
    %add3A_9 = arith.constant 1.000000e+00 : f32
    %add3A_10 = vector.broadcast %add3A_9 : f32 to vector<1x1000xf32>
    %add3A_11 = arith.addf %add3A, %add3A_10 : vector<1x1000xf32>
    %rsqrt3A = math.rsqrt %add3A_11 : vector<1x1000xf32>
    %broadcast_in_dim3A = arith.constant 1.000000e+00 : f32
    %broadcast_in_dim3A_12 = vector.broadcast %broadcast_in_dim3A : f32 to vector<1x128xf32>
    %dot_general3A = arith.constant dense<0.000000e+00> : vector<1000x128xf32>
    %dot_general3A_13 = tpu.matmul %rsqrt3A, %broadcast_in_dim3A_12, %dot_general3A {dimension_numbers = #tpu.dot_dimension_numbers<[0], [0], [1], [1], [0, 1, 1, 1], [], []>, transpose_lhs_hint = false} : vector<1x1000xf32>, vector<1x128xf32>, vector<1000x128xf32> -> vector<1000x128xf32>
    %get3A_14 = arith.constant 0 : index
    %get3A_15 = arith.constant 0 : index
    %get3A_16 = arith.constant 0 : index
    %get3A_17 = vector.load %arg1[%get3A_14, %get3A_15, %get3A_16] : memref<2x1000x128xf32, #tpu.memory_space<vmem>>, vector<1x1000x128xf32>
    %get3A_18 = vector.shape_cast %get3A_17 : vector<1x1000x128xf32> to vector<1000x128xf32>
    %mul3A = arith.mulf %get3A_18, %dot_general3A_13 : vector<1000x128xf32>
    %get3A_19 = arith.constant 0 : index
    %get3A_20 = arith.constant 0 : index
    %get3A_21 = vector.load %arg3[%get3A_19, %get3A_20] : memref<1x256xf32, #tpu.memory_space<vmem>>, vector<1x128xf32>
    %add3A_22 = vector.broadcast %get3A_21 : vector<1x128xf32> to vector<1000x128xf32>
    %add3A_23 = arith.addf %mul3A, %add3A_22 : vector<1000x128xf32>
    %max3A = arith.constant 0.000000e+00 : f32
    %max3A_24 = vector.broadcast %max3A : f32 to vector<1000x128xf32>
    %max3A_25 = arith.maximumf %add3A_23, %max3A_24 : vector<1000x128xf32>
    %get3A_26 = arith.constant 1 : index
    %get3A_27 = arith.constant 0 : index
    %get3A_28 = arith.constant 0 : index
    %get3A_29 = vector.load %arg1[%get3A_26, %get3A_27, %get3A_28] : memref<2x1000x128xf32, #tpu.memory_space<vmem>>, vector<1x1000x128xf32>
    %get3A_30 = vector.shape_cast %get3A_29 : vector<1x1000x128xf32> to vector<1000x128xf32>
    %mul3A_31 = arith.mulf %get3A_30, %dot_general3A_13 : vector<1000x128xf32>
    %get3A_32 = arith.constant 0 : index
    %get3A_33 = arith.constant 128 : index
    %get3A_34 = vector.load %arg3[%get3A_32, %get3A_33] : memref<1x256xf32, #tpu.memory_space<vmem>>, vector<1x128xf32>
    %add3A_35 = vector.broadcast %get3A_34 : vector<1x128xf32> to vector<1000x128xf32>
    %add3A_36 = arith.addf %mul3A_31, %add3A_35 : vector<1000x128xf32>
    %max3A_37 = arith.constant 0.000000e+00 : f32
    %max3A_38 = vector.broadcast %max3A_37 : f32 to vector<1000x128xf32>
    %max3A_39 = arith.maximumf %add3A_36, %max3A_38 : vector<1000x128xf32>
    %get3A_40 = arith.constant 0 : index
    %get3A_41 = arith.constant 0 : index
    %get3A_42 = vector.load %arg4[%get3A_40, %get3A_41] : memref<256x40xf32, #tpu.memory_space<vmem>>, vector<128x40xf32>
    %dot_general3A_43 = arith.constant dense<0.000000e+00> : vector<1000x40xf32>
    %dot_general3A_44 = tpu.matmul %max3A_25, %get3A_42, %dot_general3A_43 {dimension_numbers = #tpu.dot_dimension_numbers<[1], [0], [0], [1], [0, 0, 1, 1], [], []>, transpose_lhs_hint = false} : vector<1000x128xf32>, vector<128x40xf32>, vector<1000x40xf32> -> vector<1000x40xf32>
    %get3A_45 = arith.constant 128 : index
    %get3A_46 = arith.constant 0 : index
    %get3A_47 = vector.load %arg4[%get3A_45, %get3A_46] : memref<256x40xf32, #tpu.memory_space<vmem>>, vector<128x40xf32>
    %dot_general3A_48 = arith.constant dense<0.000000e+00> : vector<1000x40xf32>
    %dot_general3A_49 = tpu.matmul %max3A_39, %get3A_47, %dot_general3A_48 {dimension_numbers = #tpu.dot_dimension_numbers<[1], [0], [0], [1], [0, 0, 1, 1], [], []>, transpose_lhs_hint = false} : vector<1000x128xf32>, vector<128x40xf32>, vector<1000x40xf32> -> vector<1000x40xf32>
    %add3A_50 = arith.addf %dot_general3A_44, %dot_general3A_49 : vector<1000x40xf32>
    %slice3A = vector.extract_strided_slice %dot_general3A_13 {offsets = [0, 0], sizes = [1000, 40], strides = [1, 1]} : vector<1000x128xf32> to vector<1000x40xf32>
    %mul3A_51 = arith.mulf %add3A_50, %slice3A : vector<1000x40xf32>
    %swap3A = arith.constant 0 : index
    %swap3A_52 = arith.constant 0 : index
    %swap3A_53 = arith.constant 0 : index
    %swap3A_54 = vector.load %arg5[%swap3A, %swap3A_52, %swap3A_53] : memref<2x1000x40xf32, #tpu.memory_space<vmem>>, vector<1x1000x40xf32>
    %swap3A_55 = vector.shape_cast %swap3A_54 : vector<1x1000x40xf32> to vector<1000x40xf32>
    %swap3A_56 = vector.shape_cast %mul3A_51 : vector<1000x40xf32> to vector<1x1000x40xf32>
    tpu.vector_store %arg5[%swap3A, %swap3A_52, %swap3A_53], %swap3A_56 {strides = array<i32>} : memref<2x1000x40xf32, #tpu.memory_space<vmem>>, vector<1x1000x40xf32>,
    %broadcast_in_dim3A_57 = arith.constant 0.000000e+00 : f32
    %broadcast_in_dim3A_58 = vector.broadcast %broadcast_in_dim3A_57 : f32 to vector<1000x40xf32>
    %swap3A_59 = arith.constant 1 : index
    %swap3A_60 = arith.constant 0 : index
    %swap3A_61 = arith.constant 0 : index
    %swap3A_62 = vector.load %arg5[%swap3A_59, %swap3A_60, %swap3A_61] : memref<2x1000x40xf32, #tpu.memory_space<vmem>>, vector<1x1000x40xf32>
    %swap3A_63 = vector.shape_cast %swap3A_62 : vector<1x1000x40xf32> to vector<1000x40xf32>
    %swap3A_64 = vector.shape_cast %broadcast_in_dim3A_58 : vector<1000x40xf32> to vector<1x1000x40xf32>
    tpu.vector_store %arg5[%swap3A_59, %swap3A_60, %swap3A_61], %swap3A_64 {strides = array<i32>} : memref<2x1000x40xf32, #tpu.memory_space<vmem>>, vector<1x1000x40xf32>,
    return
  }
  func.func @transform_0(%arg0: i32) -> (i32, i32, i32) {
    %c0_i32 = arith.constant 0 : i32
    %c0_i32_0 = arith.constant 0 : i32
    %c0_i32_1 = arith.constant 0 : i32
    return %c0_i32, %arg0, %c0_i32_0 : i32, i32, i32
  }
  func.func @transform_1(%arg0: i32) -> (i32, i32, i32) {
    %c0_i32 = arith.constant 0 : i32
    %c0_i32_0 = arith.constant 0 : i32
    %c0_i32_1 = arith.constant 0 : i32
    return %arg0, %c0_i32, %c0_i32_0 : i32, i32, i32
  }
  func.func @transform_2(%arg0: i32) -> (i32, i32) {
    %c0_i32 = arith.constant 0 : i32
    %c0_i32_0 = arith.constant 0 : i32
    %c0_i32_1 = arith.constant 0 : i32
    return %c0_i32, %c0_i32_0 : i32, i32
  }
  func.func @transform_3(%arg0: i32) -> (i32, i32) {
    %c0_i32 = arith.constant 0 : i32
    %c0_i32_0 = arith.constant 0 : i32
    %c0_i32_1 = arith.constant 0 : i32
    return %c0_i32, %c0_i32_0 : i32, i32
  }
  func.func @transform_4(%arg0: i32) -> (i32, i32, i32) {
    %c0_i32 = arith.constant 0 : i32
    %c0_i32_0 = arith.constant 0 : i32
    %c0_i32_1 = arith.constant 0 : i32
    return %c0_i32, %arg0, %c0_i32_0 : i32, i32, i32
  }
}

module attributes {stable_mosaic.version = 14 : i64} {
  func.func @_final_body(%arg0: i32, %arg1: memref<2x1000x40xf32, #tpu.memory_space<vmem>>, %arg2: memref<1x2x1000xf32, #tpu.memory_space<vmem>>, %arg3: memref<1x40xf32, #tpu.memory_space<vmem>>, %arg4: memref<1000x40xf32, #tpu.memory_space<vmem>>) attributes {dimension_semantics = [#tpu.dimension_semantics<arbitrary>], iteration_bounds = array<i64: 10>, scalar_prefetch = 0 : i64, scratch_operands = 0 : i64, tpu.core_type = #tpu.core_type<tc>, window_params = [{transform_indices = @transform_0, window_bounds = array<i64: 2, 1000, 40>}, {transform_indices = @transform_1, window_bounds = array<i64: 1, 2, 1000>}, {pipeline_mode = #tpu.pipeline_mode<synchronous>, transform_indices = @transform_2, window_bounds = array<i64: 1, 40>}, {transform_indices = @transform_3, window_bounds = array<i64: 1000, 40>}]} {
    %get3A = arith.constant 0 : index
    %get3A_0 = arith.constant 0 : index
    %get3A_1 = arith.constant 0 : index
    %get3A_2 = vector.load %arg2[%get3A, %get3A_0, %get3A_1] : memref<1x2x1000xf32, #tpu.memory_space<vmem>>, vector<1x1x1000xf32>
    %get3A_3 = vector.shape_cast %get3A_2 : vector<1x1x1000xf32> to vector<1x1000xf32>
    %get3A_4 = arith.constant 0 : index
    %get3A_5 = arith.constant 1 : index
    %get3A_6 = arith.constant 0 : index
    %get3A_7 = vector.load %arg2[%get3A_4, %get3A_5, %get3A_6] : memref<1x2x1000xf32, #tpu.memory_space<vmem>>, vector<1x1x1000xf32>
    %get3A_8 = vector.shape_cast %get3A_7 : vector<1x1x1000xf32> to vector<1x1000xf32>
    %add3A = arith.addf %get3A_3, %get3A_8 : vector<1x1000xf32>
    %add3A_9 = arith.constant 1.000000e+00 : f32
    %add3A_10 = vector.broadcast %add3A_9 : f32 to vector<1x1000xf32>
    %add3A_11 = arith.addf %add3A, %add3A_10 : vector<1x1000xf32>
    %rsqrt3A = math.rsqrt %add3A_11 : vector<1x1000xf32>
    %broadcast_in_dim3A = arith.constant 1.000000e+00 : f32
    %broadcast_in_dim3A_12 = vector.broadcast %broadcast_in_dim3A : f32 to vector<1x128xf32>
    %dot_general3A = arith.constant dense<0.000000e+00> : vector<1000x128xf32>
    %dot_general3A_13 = tpu.matmul %rsqrt3A, %broadcast_in_dim3A_12, %dot_general3A {dimension_numbers = #tpu.dot_dimension_numbers<[0], [0], [1], [1], [0, 1, 1, 1], [], []>, transpose_lhs_hint = false} : vector<1x1000xf32>, vector<1x128xf32>, vector<1000x128xf32> -> vector<1000x128xf32>
    %get3A_14 = arith.constant 0 : index
    %get3A_15 = arith.constant 0 : index
    %get3A_16 = arith.constant 0 : index
    %get3A_17 = vector.load %arg1[%get3A_14, %get3A_15, %get3A_16] : memref<2x1000x40xf32, #tpu.memory_space<vmem>>, vector<1x1000x40xf32>
    %get3A_18 = vector.shape_cast %get3A_17 : vector<1x1000x40xf32> to vector<1000x40xf32>
    %get3A_19 = arith.constant 1 : index
    %get3A_20 = arith.constant 0 : index
    %get3A_21 = arith.constant 0 : index
    %get3A_22 = vector.load %arg1[%get3A_19, %get3A_20, %get3A_21] : memref<2x1000x40xf32, #tpu.memory_space<vmem>>, vector<1x1000x40xf32>
    %get3A_23 = vector.shape_cast %get3A_22 : vector<1x1000x40xf32> to vector<1000x40xf32>
    %add3A_24 = arith.addf %get3A_18, %get3A_23 : vector<1000x40xf32>
    %slice3A = vector.extract_strided_slice %dot_general3A_13 {offsets = [0, 0], sizes = [1000, 40], strides = [1, 1]} : vector<1000x128xf32> to vector<1000x40xf32>
    %mul3A = arith.mulf %add3A_24, %slice3A : vector<1000x40xf32>
    %get3A_25 = arith.constant 0 : index
    %get3A_26 = arith.constant 0 : index
    %get3A_27 = vector.load %arg3[%get3A_25, %get3A_26] : memref<1x40xf32, #tpu.memory_space<vmem>>, vector<1x40xf32>
    %add3A_28 = vector.broadcast %get3A_27 : vector<1x40xf32> to vector<1000x40xf32>
    %add3A_29 = arith.addf %mul3A, %add3A_28 : vector<1000x40xf32>
    %reduce_max3A = arith.constant dense<0xFF800000> : vector<1000xf32>
    %reduce_max3A_30 = vector.multi_reduction <maximumf>, %add3A_29, %reduce_max3A [1] : vector<1000x40xf32> to vector<1000xf32>
    %broadcast_in_dim3A_31 = vector.shape_cast %reduce_max3A_30 : vector<1000xf32> to vector<1000x1xf32>
    %sub3A = vector.broadcast %broadcast_in_dim3A_31 : vector<1000x1xf32> to vector<1000x40xf32>
    %sub3A_32 = arith.subf %add3A_29, %sub3A : vector<1000x40xf32>
    %exp3A = math.exp %sub3A_32 : vector<1000x40xf32>
    %reduce_sum3A = arith.constant dense<0.000000e+00> : vector<1000xf32>
    %reduce_sum3A_33 = vector.multi_reduction <add>, %exp3A, %reduce_sum3A [1] : vector<1000x40xf32> to vector<1000xf32>
    %broadcast_in_dim3A_34 = vector.shape_cast %reduce_sum3A_33 : vector<1000xf32> to vector<1000x1xf32>
    %log3A = math.log %broadcast_in_dim3A_34 : vector<1000x1xf32>
    %sub3A_35 = vector.broadcast %log3A : vector<1000x1xf32> to vector<1000x40xf32>
    %sub3A_36 = arith.subf %sub3A_32, %sub3A_35 : vector<1000x40xf32>
    %swap3A = arith.constant 0 : index
    %swap3A_37 = arith.constant 0 : index
    %swap3A_38 = vector.load %arg4[%swap3A, %swap3A_37] : memref<1000x40xf32, #tpu.memory_space<vmem>>, vector<1000x40xf32>
    tpu.vector_store %arg4[%swap3A, %swap3A_37], %sub3A_36 {strides = array<i32>} : memref<1000x40xf32, #tpu.memory_space<vmem>>, vector<1000x40xf32>,
    return
  }
  func.func @transform_0(%arg0: i32) -> (i32, i32, i32) {
    %c0_i32 = arith.constant 0 : i32
    %c0_i32_0 = arith.constant 0 : i32
    %c0_i32_1 = arith.constant 0 : i32
    return %c0_i32, %arg0, %c0_i32_0 : i32, i32, i32
  }
  func.func @transform_1(%arg0: i32) -> (i32, i32, i32) {
    %c0_i32 = arith.constant 0 : i32
    %c0_i32_0 = arith.constant 0 : i32
    %c0_i32_1 = arith.constant 0 : i32
    return %arg0, %c0_i32, %c0_i32_0 : i32, i32, i32
  }
  func.func @transform_2(%arg0: i32) -> (i32, i32) {
    %c0_i32 = arith.constant 0 : i32
    %c0_i32_0 = arith.constant 0 : i32
    %c0_i32_1 = arith.constant 0 : i32
    return %c0_i32, %c0_i32_0 : i32, i32
  }
  func.func @transform_3(%arg0: i32) -> (i32, i32) {
    %c0_i32 = arith.constant 0 : i32
    %c0_i32_0 = arith.constant 0 : i32
    return %arg0, %c0_i32 : i32, i32
  }
}

</mosaic_0001>

<sc_bundles>
// kernel: kernel.11.cloned.1.call-start
scs
__scs_entry_jumppad:
0x0: {  	(pc) =	sbr.rel $0x88, $3  }
0x1: {  	(tag) =	ssettag $0x0;
	lr =	simm.s32 $0x1  }
0x2: {  	[smem:$0x3F9B] =	sst lr;
	_ =	strace $0xD0000000  }
0x3: {  	_ = 	snop  }
0x4: {  	_ = 	snop  }
0x5: {  	_ = 	snop  }
0x6: {  	_ = 	snop  }
0x7: {  	_ = 	snop  }
__scs_overlays_trampoline_lowered:
0x8: {  	[smem:$0x3FAA] =	sst s0  }
0x9: {  	[smem:$0x3FAB] =	sst s1  }
0xa: {  	[smem:$0x3FAC] =	sst s2  }
0xb: {  	[smem:$0x3FAD] =	sst s3  }
0xc: {  	[smem:$0x3FAE] =	sst s4  }
0xd: {  	[smem:$0x3FAF] =	sst s5  }
0xe: {  	[smem:$0x3FB0] =	sst s6  }
0xf: {  	[smem:$0x3FB1] =	sst s7  }
0x10: {  	[smem:$0x3FB2] =	sst s8  }
0x11: {  	[smem:$0x3FB3] =	sst s9;
	s0 =	simm.s32 @!p0 $0x0  }
0x12: {  	s1 =	sld [smem:$0x3F99];
	s0 =	simm.s32 @p0 $0x1  }
0x13: {  	[smem:$0x3FB4] =	sst s0;
	s0 =	simm.s32 @!p1 $0x0  }
0x14: {  	s2 =	sld [smem:$0x3F98];
	s0 =	simm.s32 @p1 $0x1  }
0x15: {  	[smem:$0x3FB5] =	sst s0;
	s0 =	simm.s32 @!p2 $0x0  }
0x16: {  	s3 =	sld [smem:$0x3FDB];
	s0 =	simm.s32 @p2 $0x1  }
0x17: {  	s4 =	simm.s32 $0x1BF5;
	[smem:$0x3FB7] =	sst s0  }
0x18: {  	s0 =	sld [smem:$0x3F9A];
	_ =	swait.ge [sflag:s4], $0x0  }
0x19: {  	s7 =	sld [smem:$0x3F9B]  }
0x1a: {  	s8 =	sadd.s32 $0xFFFFE003, lr  }
0x1b: {  	s9 =	sadd.s32 $0xFFFFFEF7, lr;
	s5 =	simm.s32 $0xFFFFFFFF;
	p2 =	slt.u32 s8, $0xFFFFF086  }
0x1c: {  	p1 =	slt.u32 s9, $0xF7A;
	s5 =	simm.s32 @!p2 $0x0  }
0x1d: {  	s5 =	simm.s32 @p1 $0x1;
	p0 =	seq.s32 s7, s2  }
0x1e: {  	s7 =	smul.u32 @!p0 $0xF7A, s2;
	p2 =	seq.s32 @!p0 s5, $0x0  }
0x1f: {  	s9 =	smul.u32 $0xF7A, s1;
	s8 =	simm.s32 @!p0 $0x1BF5;
	p2 =	por !p2, p0  }
0x20: {  	[sflag:s8] =	ssyncset.s32 @!p0 $0xFFFFF086;
	s6 =	sadd.s32 @!p0 s3, s7;
	s7 =	simm.s32 @!p0 $0x108  }
0x21: {  	s3 =	sadd.s32 s3, s9;
	s6 =	sadd.s32 @!p0 $0x88, s6;
	s7 =	simm.s32 @p2 $0x1082  }
0x22: {  	[simem:s7], [sflag:s8] =	dma.local @!p0 [hbm:s6], $0xF7A  }
0x23: {  	s9 =	sor.u32 $0xD0000000, s2;
	s6 =	simm.s32 $0x108;
	_ =	swait.ge @!p0 [sflag:s8], $0x0  }
0x24: {  	s3 =	sadd.s32 $0x88, s3;
	s6 =	simm.s32 @!p1 $0x1082;
	[sflag:s4] =	ssyncset.s32 $0xFFFFF086  }
0x25: {  	[simem:s6], [sflag:s4] =	dma.local [hbm:s3], $0xF7A  }
0x26: {  	[smem:$0x3F9B] =	sst s1;
	(tag) =	ssettag s2;
	_ =	strace s9  }
0x27: {  	s1 =	sld [smem:$0x3FAB]  }
0x28: {  	s2 =	sld [smem:$0x3FAC]  }
0x29: {  	s4 =	sld [smem:$0x3FAE]  }
0x2a: {  	p0 =	seq.s32 s5, $0x0;
	s5 =	sld [smem:$0x3FAF]  }
0x2b: {  	s6 =	sld [smem:$0x3FB0]  }
0x2c: {  	s7 =	sld [smem:$0x3FB1]  }
0x2d: {  	s3 =	simm.s32 $0x108;
	s8 =	sld [smem:$0x3FB2]  }
0x2e: {  	s3 =	simm.s32 @!p0 $0x1082;
	s9 =	sld [smem:$0x3FB3]  }
0x2f: {  	lr =	sadd.s32 s0, s3;
	s0 =	sld [smem:$0x3FAA]  }
0x30: {  	s3 =	sld [smem:$0x3FAD]  }
0x31: {  	[smem:$0x3FB6] =	sst s10  }
0x32: {  	s10 =	sld [smem:$0x3FB4];
	_ =	sdelay $0x3  }
0x33: {  	p0 =	seq.s32 s10, $0x1;
	s10 =	sld [smem:$0x3FB6];
	_ =	sdelay $0x3  }
0x34: {  	[smem:$0x3FB6] =	sst s10  }
0x35: {  	s10 =	sld [smem:$0x3FB5];
	_ =	sdelay $0x3  }
0x36: {  	p1 =	seq.s32 s10, $0x1;
	s10 =	sld [smem:$0x3FB6];
	_ =	sdelay $0x3  }
0x37: {  	[smem:$0x3FB6] =	sst s10  }
0x38: {  	s10 =	sld [smem:$0x3FB7]  }
0x39: {  	_ = 	snop;
	(pc) =	sbr.ind lr, $3  }
0x3a: {  	_ = 	snop  }
0x3b: {  	_ = 	snop  }
0x3c: {  	p2 =	seq.s32 s10, $0x1;
	s10 =	sld [smem:$0x3FB6]  }
0x3d: {  	_ =	shalt  }
0x3e: {  	_ =	shalt  }
0x3f: {  	_ =	shalt  }
0x40: {  	_ =	shalt  }
0x41: {  	_ =	shalt  }
0x42: {  	_ =	shalt  }
0x43: {  	_ =	shalt  }
0x44: {  	_ =	shalt  }
0x45: {  	_ =	shalt  }
0x46: {  	_ =	shalt  }
0x47: {  	_ =	shalt  }
0x48: {  	_ =	shalt  }
0x49: {  	_ =	shalt  }
0x4a: {  	_ =	shalt  }
0x4b: {  	_ =	shalt  }
0x4c: {  	_ =	shalt  }
0x4d: {  	_ =	shalt  }
0x4e: {  	_ =	shalt  }
0x4f: {  	_ =	shalt  }
0x50: {  	_ =	shalt  }
0x51: {  	_ =	shalt  }
0x52: {  	_ =	shalt  }
0x53: {  	_ =	shalt  }
0x54: {  	_ =	shalt  }
0x55: {  	_ =	shalt  }
0x56: {  	_ =	shalt  }
0x57: {  	_ =	shalt  }
0x58: {  	_ =	shalt  }
0x59: {  	_ =	shalt  }
0x5a: {  	_ =	shalt  }
0x5b: {  	_ =	shalt  }
0x5c: {  	_ =	shalt  }
0x5d: {  	_ =	shalt  }
0x5e: {  	_ =	shalt  }
0x5f: {  	_ =	shalt  }
0x60: {  	_ =	shalt  }
0x61: {  	_ =	shalt  }
0x62: {  	_ =	shalt  }
0x63: {  	_ =	shalt  }
0x64: {  	_ =	shalt  }
0x65: {  	_ =	shalt  }
0x66: {  	_ =	shalt  }
0x67: {  	_ =	shalt  }
0x68: {  	_ =	shalt  }
0x69: {  	_ =	shalt  }
0x6a: {  	_ =	shalt  }
0x6b: {  	_ =	shalt  }
0x6c: {  	_ =	shalt  }
0x6d: {  	_ =	shalt  }
0x6e: {  	_ =	shalt  }
0x6f: {  	_ =	shalt  }
0x70: {  	_ =	shalt  }
0x71: {  	_ =	shalt  }
0x72: {  	_ =	shalt  }
0x73: {  	_ =	shalt  }
0x74: {  	_ =	shalt  }
0x75: {  	_ =	shalt  }
0x76: {  	_ =	shalt  }
0x77: {  	_ =	shalt  }
0x78: {  	_ =	shalt  }
0x79: {  	_ =	shalt  }
0x7a: {  	_ =	shalt  }
0x7b: {  	_ =	shalt  }
0x7c: {  	_ =	shalt  }
0x7d: {  	_ =	shalt  }
0x7e: {  	_ =	shalt  }
0x7f: {  	_ =	shalt  }
0x80: {  	_ =	shalt  }
0x81: {  	_ =	shalt  }
0x82: {  	_ =	shalt  }
0x83: {  	_ =	shalt  }
0x84: {  	_ =	shalt  }
0x85: {  	_ =	shalt  }
0x86: {  	_ =	shalt  }
0x87: {  	_ =	shalt  }
.Lfunc_end0:
.L_simem_size_0:
called_computation.1_lowered:
.L_overlay_start_0:
0x88: {  	s2 =	sld [smem:$0x3FD9]  }
0x89: {  	s3 =	sld [smem:$0x3FFE];
	_ =	sdelay $0x1  }
0x8a: {  	s1 =	srdreg.scid  }
0x8b: {  	s0 =	sand.u32 $0x1, s1  }
0x8c: {  	s17 =	sshll.u32 s0, $0xA;
	s2 =	sadd.s32 s3, s2  }
0x8d: {  	s2 =	sadd.s32 s2, s17  }
0x8e: {  	[smem:$0x3FC2] =	sst s2  }
0x8f: {  	_ = 	snop  }
0x90: {  	s2 =	sld [smem:$0x3FD0];
	(tm) =	ssettm $0x1  }
0x91: {  	s18 =	sld [smem:$0x3FFB];
	_ =	sdelay $0x3  }
0x92: {  	_ =	strace s18  }
0x93: {  	s3 =	sld [smem:$0x3FFC];
	_ =	sdelay $0x3  }
0x94: {  	_ =	strace s3  }
0x95: {  	s3 =	sld [smem:$0x3FFD];
	_ =	sdelay $0x3  }
0x96: {  	_ =	strace s3  }
0x97: {  	_ =	strace $0x8FFFFFFF  }
0x98: {  	s19 =	sld [smem:$0x3FDB];
	_ =	sdelay $0x1  }
0x99: {  	s4 =	simm.s32 $_scs_section_size  }
0x9a: {  	s5 =	simm.s32 $_size__tile_overlayer_lowered;
	s6 =	simm.s32 $_tile_overlayer_lowered  }
0x9b: {  	s22 =	simm.s32 $0x1BFF;
	s21 =	sshll.u32 s6, $0x1;
	s3 =	sadd.s32 s4, s19  }
0x9c: {  	s7 =	simm.s32 $0x0;
	s20 =	sshll.u32 s5, $0x1;
	s5 =	sadd.s32 s21, s3  }
0x9d: {  	[timem:s7], [sflag:s22] =	dma.local [hbm:s5], s20  }
0x9e: {  	_ =	swait.ge [sflag:s22], s20  }
0x9f: {  	s4 =	ssub.s32 $0x0, s20;
	[sflag:s22] =	ssyncset.done $0x0  }
0xa0: {  	[sflag:s22] =	ssyncadd.s32 s4;
	_ =	sdelay $0x1  }
0xa1: {  	s23 =	simm.s32 $0x1B8B  }
0xa2: {  	_ =	swait.ge [sflag:s23], $0x1  }
0xa3: {  	[sflag:s23] =	ssyncset.done $0x0  }
0xa4: {  	s25 =	simm.s32 $0x1B8E;
	s24 =	sld [smem:$0x3FFE];
	[sflag:s23] =	ssyncadd.s32 $0xFFFFFFFF  }
0xa5: {  	s26 =	simm.s32 $execute0_lowered;
	[smem:$0x3FD2] =	sst s25  }
0xa6: {  	s5 =	sshll.u32 s26, $0x1;
	_ =	strace $0x80000049;
	[dreg:$0x1] =	wrdreg $0xFFFFFFFF  }
0xa7: {  	s28 =	simm.s32 $_size_execute0_lowered;
	s3 =	sadd.s32 s3, s5;
	[dreg:$0x0] =	wrdreg $0x0  }
0xa8: {  	s5 =	sshll.u32 s28, $0x1;
	[dreg:$0x2] =	wrdreg s3  }
0xa9: {  	[dreg:$0x3] =	wrdreg s5  }
0xaa: {  	[dreg:$0x4] =	wrdreg $0xC0  }
0xab: {  	_ =	task [dreg:s7], $0x5FFFF  }
0xac: {  	[dreg:$0x1] =	wrdreg $0xFFFFFFFF  }
0xad: {  	[dreg:$0x0] =	wrdreg $0x60  }
0xae: {  	[dreg:$0x2] =	wrdreg s24  }
0xaf: {  	[dreg:$0x3] =	wrdreg s2  }
0xb0: {  	[dreg:$0x4] =	wrdreg $0xBB800  }
0xb1: {  	[dreg:$0x5] =	wrdreg $0x9  }
0xb2: {  	_ =	task.clear_ibuf [dreg:s7], $0x6FFFF;
	_ =	strace $0x90000049  }
0xb3: {  	s29 =	simm.s32 $0x9;
	_ =	strace $0x8000004B  }
0xb4: {  	_ =	swait.ge [sflag:s29], $0x1  }
0xb5: {  	[sflag:s29] =	ssyncadd.s32 $0xFFFFFFFF  }
0xb6: {  	_ =	strace $0x9000004B  }
0xb7: {  	_ =	sfence  }
0xb8: {  	s30 =	sld [smem:$0x0];
	_ =	sdelay $0x2  }
0xb9: {  	s31 =	sshll.u32 s1, $0xD;
	s1 =	sshrl.u32 s1, $0x2  }
0xba: {  	s3 =	sand.u32 $0x4000, s31;
	s1 =	sadd.s32 s1, s30  }
0xbb: {  	s0 =	sor.u32 s3, s0;
	s1 =	sshll.u32 s1, $0x11  }
0xbc: {  	s0 =	sor.u32 s1, s0  }
0xbd: {  	s0 =	sadd.s32 $0x8F2B, s0  }
0xbe: {  	[sflag:s0] =	ssyncadd.remote.s32 $0x1  }
0xbf: {  	_ =	sfence.sel $0xFFFF  }
0xc0: {  	[dreg:$0x0] =	wrdreg $0xFFFFFFFF;
	(pc) =	sbr.abs _section_cstart, $3  }
0xc1: {  	[dreg:$0x1] =	wrdreg $0xFFFFFFFF  }
0xc2: {  	_ =	task.clear_ibuf [dreg:s7], $0x2FFFF;
	_ =	strace $0x9FFFFFFF  }
0xc3: {  	(tm) =	ssettm $0x7FFFFFFF  }
tec
execute0_lowered:
.L_overlay_start_1:
0x0: {  	(tag) =	ssettag $0x1  }
0x1: {  	s0 =	rddreg [dreg:$0x0]  }
0x2: {  	s4 =	rddreg [dreg:$0x1]  }
0x3: {  	s1 =	rddreg [dreg:$0x2];
	s8 =	stileid.u32  }
0x4: {  	s3 =	srdreg.scid;
	s2 =	simm.s32 $0x0;
	s11 =	simm.s32 $0x32  }
0x5: {  	s12 =	simm.s32 $0x5780;
	s14 =	simm.s32 $0x7080;
	s16 =	simm.s32 $0x8980  }
0x6: {  	s17 =	simm.s32 $0xA8;
	s18 =	simm.s32 $0xA280;
	s19 =	simm.s32 $0x1  }
0x7: {  	s20 =	simm.s32 $0x5;
	s21 =	simm.s32 $0x2;
	s22 =	simm.s32 $0x6  }
0x8: {  	s23 =	simm.s32 $0x3;
	s24 =	simm.s32 $0x7;
	s25 =	simm.s32 $0x4  }
0x9: {  	s26 =	simm.s32 $0x8;
	s28 =	simm.s32 $0x56A0;
	s29 =	simm.s32 $0x56D8  }
0xa: {  	s30 =	simm.s32 $0x5710;
	s31 =	simm.s32 $0x5748;
	s5 =	smul.u32 $0x578, s8  }
0xb: {  	s3 =	sand.u32 $0x1, s3;
	[smem:$0x7FF] =	sst s2;
	p0 =	sne.s32 s8, $0x0  }
0xc: {  	s6 =	smul.u32 $0x27100, s3;
	s3 =	ssub.s32 $0x2, s3;
	_ =	strace $0x8000004A  }
0xd: {  	s8 =	sshrl.u32 @!p0 s1, $0x3;
	s7 =	sshrl.u32 s3, $0x1;
	s9 =	sadd.s32 s5, s0  }
0xe: {  	s4 =	sadd.s32 s4, s5;
	s0 =	sadd.s32 s6, s0;
	s7 =	ssub.s32 s3, s7  }
0xf: {  	s5 =	sadd.s32 $0x7E00, s9;
	s9 =	simm.s32 $0x9;
	s3 =	sadd.s32 $0xD600, s0  }
0x10: {  	s6 =	sadd.s32 $0x5B800, s0;
	s7 =	smax.u32 s7, $0x1;
	s0 =	simm.s32 $0x0  }
.LBB2_1:
0x11: {  	s10 =	simm.s32 @!p0 $0x1C09  }
0x12: {  	[spmem:s8], [sflag:s10] =	dma.local @!p0 [hbm:s3], $0x27100  }
0x13: {  	s10 =	simm.s32 @!p0 $0x9  }
0x14: {  	_ =	swait.ge @!p0 [sflag:s10], $0x27100  }
0x15: {  	[sflag:s10] =	ssyncset.done @!p0 $0x0  }
0x16: {  	[sflag:s10] =	ssyncadd.s32 @!p0 $0xFFFD8F00  }
0x17: {  	[tilespmem:s2], [sflag:$0x9] =	stream.linear.gather [hbm4b:s4+s2], $0x2BC0, $0x38;
	[tilespmem:$0x1F400] =	vst v63  }
0x18: {  	_ =	swait.ge [sflag:s9], $0x2BC0  }
0x19: {  	[sflag:s9] =	ssyncset.done $0x0  }
0x1a: {  	s13 =	simm.s32 $0x2BC0;
	[sflag:s9] =	ssyncadd.s32 $0xFFFFD440  }
0x1b: {  	[tilespmem:s13], [sflag:$0x9] =	stream.linear.gather [hbm4b:s5+s2], $0x2BC0, $0x38;
	[tilespmem:$0x1F400] =	vst v63  }
0x1c: {  	_ =	swait.ge [sflag:s9], $0x2BC0  }
0x1d: {  	[sflag:s9] =	ssyncset.done $0x0  }
0x1e: {  	[sflag:s9] =	ssyncadd.s32 $0xFFFFD440  }
0x1f: {  	[bflag:$0x0] =	sbarrier.arrive $0xFFFF  }
0x20: {  	[tilespmem:s12], [sflag:$0x1] =	stream.indirect.gather [hbm4b:s3+s11], $0x80, s2, s11, $0xb8;
	[tilespmem:$0x1F400] =	vst v63  }
0x21: {  	s15 =	simm.s32 $0x38  }
0x22: {  	[tilespmem:s14], [sflag:$0x2] =	stream.indirect.gather [hbm4b:s3+s11], $0x80, s15, s11, $0xb8;
	[tilespmem:$0x1F400] =	vst v63  }
0x23: {  	s13 =	simm.s32 $0x70  }
0x24: {  	[tilespmem:s16], [sflag:$0x3] =	stream.indirect.gather [hbm4b:s3+s11], $0x80, s13, s11, $0xb8;
	[tilespmem:$0x1F400] =	vst v63  }
0x25: {  	_ = 	snop  }
0x26: {  	[tilespmem:s18], [sflag:$0x4] =	stream.indirect.gather [hbm4b:s3+s11], $0x80, s17, s11, $0xb8;
	[tilespmem:$0x1F400] =	vst v63  }
0x27: {  	_ =	swait.ge [sflag:s19], $0x1900  }
0x28: {  	[sflag:s19] =	ssyncset.done $0x0  }
0x29: {  	s15 =	simm.s32 $0x2BC0;
	[sflag:s19] =	ssyncadd.s32 $0xFFFFE700  }
0x2a: {  	[spmem:s1] =	stream.indirect.scatter.add.f32 [tilespmem:s12], [sflag:$0x5], $0x80, s15, s11, $0xb8;
	[tilespmem:$0x1F400] =	vst v63  }
0x2b: {  	_ =	swait.ge [sflag:s20], $0x1900  }
0x2c: {  	[sflag:s20] =	ssyncset.done $0x0  }
0x2d: {  	s13 =	simm.s32 $0xE0;
	[sflag:s20] =	ssyncadd.s32 $0xFFFFE700  }
0x2e: {  	[tilespmem:s12], [sflag:$0x1] =	stream.indirect.gather [hbm4b:s3+s11], $0x80, s13, s11, $0xb8;
	[tilespmem:$0x1F400] =	vst v63  }
0x2f: {  	_ =	swait.ge [sflag:s21], $0x1900  }
0x30: {  	[sflag:s21] =	ssyncset.done $0x0  }
0x31: {  	s15 =	simm.s32 $0x2BF8;
	[sflag:s21] =	ssyncadd.s32 $0xFFFFE700  }
0x32: {  	[spmem:s1] =	stream.indirect.scatter.add.f32 [tilespmem:s14], [sflag:$0x6], $0x80, s15, s11, $0xb8;
	[tilespmem:$0x1F400] =	vst v63  }
0x33: {  	_ =	swait.ge [sflag:s22], $0x1900  }
0x34: {  	[sflag:s22] =	ssyncset.done $0x0  }
0x35: {  	s13 =	simm.s32 $0x118;
	[sflag:s22] =	ssyncadd.s32 $0xFFFFE700  }
0x36: {  	[tilespmem:s14], [sflag:$0x2] =	stream.indirect.gather [hbm4b:s3+s11], $0x80, s13, s11, $0xb8;
	[tilespmem:$0x1F400] =	vst v63  }
0x37: {  	_ =	swait.ge [sflag:s23], $0x1900  }
0x38: {  	[sflag:s23] =	ssyncset.done $0x0  }
0x39: {  	s15 =	simm.s32 $0x2C30;
	[sflag:s23] =	ssyncadd.s32 $0xFFFFE700  }
0x3a: {  	[spmem:s1] =	stream.indirect.scatter.add.f32 [tilespmem:s16], [sflag:$0x7], $0x80, s15, s11, $0xb8;
	[tilespmem:$0x1F400] =	vst v63  }
0x3b: {  	_ =	swait.ge [sflag:s24], $0x1900  }
0x3c: {  	[sflag:s24] =	ssyncset.done $0x0  }
0x3d: {  	s13 =	simm.s32 $0x150;
	[sflag:s24] =	ssyncadd.s32 $0xFFFFE700  }
0x3e: {  	[tilespmem:s16], [sflag:$0x3] =	stream.indirect.gather [hbm4b:s3+s11], $0x80, s13, s11, $0xb8;
	[tilespmem:$0x1F400] =	vst v63  }
0x3f: {  	_ =	swait.ge [sflag:s25], $0x1900  }
0x40: {  	[sflag:s25] =	ssyncset.done $0x0  }
0x41: {  	s15 =	simm.s32 $0x2C68;
	[sflag:s25] =	ssyncadd.s32 $0xFFFFE700  }
0x42: {  	[spmem:s1] =	stream.indirect.scatter.add.f32 [tilespmem:s18], [sflag:$0x8], $0x80, s15, s11, $0xb8;
	[tilespmem:$0x1F400] =	vst v63  }
0x43: {  	_ =	swait.ge [sflag:s26], $0x1900  }
0x44: {  	[sflag:s26] =	ssyncset.done $0x0  }
0x45: {  	s10 =	simm.s32 $0x380;
	s13 =	simm.s32 $0x188;
	[sflag:s26] =	ssyncadd.s32 $0xFFFFE700  }
.LBB2_2:
0x46: {  	[tilespmem:s18], [sflag:$0x4] =	stream.indirect.gather [hbm4b:s3+s11], $0x80, s13, s11, $0xb8;
	[tilespmem:$0x1F400] =	vst v63  }
0x47: {  	s13 =	smov.u32 s10  }
0x48: {  	p1 =	sne.s32 s10, $0xA800;
	s10 =	sadd.s32 $0x380, s10;
	_ =	swait.ge [sflag:s19], $0x1900  }
0x49: {  	s13 =	sshra.s32 s13, $0x2;
	[sflag:s19] =	ssyncset.done $0x0  }
0x4a: {  	s15 =	sadd.s32 $0x2BC0, s13;
	[sflag:s19] =	ssyncadd.s32 $0xFFFFE700  }
0x4b: {  	[spmem:s1] =	stream.indirect.scatter.add.f32 [tilespmem:s12], [sflag:$0x5], $0x80, s15, s11, $0xb8;
	[tilespmem:$0x1F400] =	vst v63  }
0x4c: {  	_ =	swait.ge [sflag:s20], $0x1900  }
0x4d: {  	[sflag:s20] =	ssyncset.done $0x0  }
0x4e: {  	s15 =	sadd.s32 $0xE0, s13;
	[sflag:s20] =	ssyncadd.s32 $0xFFFFE700  }
0x4f: {  	[tilespmem:s12], [sflag:$0x1] =	stream.indirect.gather [hbm4b:s3+s11], $0x80, s15, s11, $0xb8;
	[tilespmem:$0x1F400] =	vst v63  }
0x50: {  	_ =	swait.ge [sflag:s21], $0x1900  }
0x51: {  	[sflag:s21] =	ssyncset.done $0x0  }
0x52: {  	s15 =	sadd.s32 $0x2BF8, s13;
	[sflag:s21] =	ssyncadd.s32 $0xFFFFE700  }
0x53: {  	[spmem:s1] =	stream.indirect.scatter.add.f32 [tilespmem:s14], [sflag:$0x6], $0x80, s15, s11, $0xb8;
	[tilespmem:$0x1F400] =	vst v63  }
0x54: {  	_ =	swait.ge [sflag:s22], $0x1900  }
0x55: {  	[sflag:s22] =	ssyncset.done $0x0  }
0x56: {  	s15 =	sadd.s32 $0x118, s13;
	[sflag:s22] =	ssyncadd.s32 $0xFFFFE700  }
0x57: {  	[tilespmem:s14], [sflag:$0x2] =	stream.indirect.gather [hbm4b:s3+s11], $0x80, s15, s11, $0xb8;
	[tilespmem:$0x1F400] =	vst v63  }
0x58: {  	_ =	swait.ge [sflag:s23], $0x1900  }
0x59: {  	[sflag:s23] =	ssyncset.done $0x0  }
0x5a: {  	s15 =	sadd.s32 $0x2C30, s13;
	[sflag:s23] =	ssyncadd.s32 $0xFFFFE700  }
0x5b: {  	[spmem:s1] =	stream.indirect.scatter.add.f32 [tilespmem:s16], [sflag:$0x7], $0x80, s15, s11, $0xb8;
	[tilespmem:$0x1F400] =	vst v63  }
0x5c: {  	_ =	swait.ge [sflag:s24], $0x1900  }
0x5d: {  	[sflag:s24] =	ssyncset.done $0x0  }
0x5e: {  	s15 =	sadd.s32 $0x150, s13;
	[sflag:s24] =	ssyncadd.s32 $0xFFFFE700  }
0x5f: {  	[tilespmem:s16], [sflag:$0x3] =	stream.indirect.gather [hbm4b:s3+s11], $0x80, s15, s11, $0xb8;
	[tilespmem:$0x1F400] =	vst v63  }
0x60: {  	_ =	swait.ge [sflag:s25], $0x1900  }
0x61: {  	[sflag:s25] =	ssyncset.done $0x0  }
.Ltmp0:
0x62: {  	s15 =	sadd.s32 $0x2C68, s13;
	[sflag:s25] =	ssyncadd.s32 $0xFFFFE700;
	(pc) =	sbr.rel @p1 .LBB2_2-.Ltmp0, $4  }
0x63: {  	[spmem:s1] =	stream.indirect.scatter.add.f32 [tilespmem:s18], [sflag:$0x8], $0x80, s15, s11, $0xb8;
	[tilespmem:$0x1F400] =	vst v63  }
0x64: {  	_ =	swait.ge [sflag:s26], $0x1900  }
0x65: {  	[sflag:s26] =	ssyncset.done $0x0  }
0x66: {  	s13 =	sadd.s32 $0x188, s13;
	[sflag:s26] =	ssyncadd.s32 $0xFFFFE700  }
0x67: {  	[tilespmem:s18], [sflag:$0x4] =	stream.indirect.gather [hbm4b:s3+s11], $0x80, s13, s11, $0xb8;
	[tilespmem:$0x1F400] =	vst v63  }
0x68: {  	_ =	swait.ge [sflag:s19], $0x1900  }
0x69: {  	[sflag:s19] =	ssyncset.done $0x0  }
0x6a: {  	[sflag:s19] =	ssyncadd.s32 $0xFFFFE700  }
0x6b: {  	[spmem:s1] =	stream.indirect.scatter.add.f32 [tilespmem:s12], [sflag:$0x5], $0x80, s28, s11, $0xb8;
	[tilespmem:$0x1F400] =	vst v63  }
0x6c: {  	_ =	swait.ge [sflag:s21], $0x1900  }
0x6d: {  	[sflag:s21] =	ssyncset.done $0x0  }
0x6e: {  	[sflag:s21] =	ssyncadd.s32 $0xFFFFE700  }
0x6f: {  	[spmem:s1] =	stream.indirect.scatter.add.f32 [tilespmem:s14], [sflag:$0x6], $0x80, s29, s11, $0xb8;
	[tilespmem:$0x1F400] =	vst v63  }
0x70: {  	_ =	swait.ge [sflag:s23], $0x1900  }
0x71: {  	[sflag:s23] =	ssyncset.done $0x0  }
0x72: {  	[sflag:s23] =	ssyncadd.s32 $0xFFFFE700  }
0x73: {  	[spmem:s1] =	stream.indirect.scatter.add.f32 [tilespmem:s16], [sflag:$0x7], $0x80, s30, s11, $0xb8;
	[tilespmem:$0x1F400] =	vst v63  }
0x74: {  	_ =	swait.ge [sflag:s25], $0x1900  }
0x75: {  	[sflag:s25] =	ssyncset.done $0x0  }
0x76: {  	[sflag:s25] =	ssyncadd.s32 $0xFFFFE700  }
0x77: {  	[spmem:s1] =	stream.indirect.scatter.add.f32 [tilespmem:s18], [sflag:$0x8], $0x80, s31, s11, $0xb8;
	[tilespmem:$0x1F400] =	vst v63  }
0x78: {  	_ =	swait.ge [sflag:s20], $0x1900  }
0x79: {  	[sflag:s20] =	ssyncset.done $0x0  }
0x7a: {  	[sflag:s20] =	ssyncadd.s32 $0xFFFFE700  }
0x7b: {  	_ =	swait.ge [sflag:s22], $0x1900  }
0x7c: {  	[sflag:s22] =	ssyncset.done $0x0  }
0x7d: {  	[sflag:s22] =	ssyncadd.s32 $0xFFFFE700  }
0x7e: {  	_ =	swait.ge [sflag:s24], $0x1900  }
0x7f: {  	[sflag:s24] =	ssyncset.done $0x0  }
0x80: {  	[sflag:s24] =	ssyncadd.s32 $0xFFFFE700  }
0x81: {  	_ =	swait.ge [sflag:s26], $0x1900  }
0x82: {  	[sflag:s26] =	ssyncset.done $0x0  }
0x83: {  	s0 =	sadd.s32 $0x1, s0;
	[sflag:s26] =	ssyncadd.s32 $0xFFFFE700  }
0x84: {  	s10 =	simm.s32 @!p0 $0x1C09;
	p1 =	sne.s32 s0, s7;
	[bflag:$0x0] =	sbarrier.arrive $0xFFFF  }
0x85: {  	[hbm:s6], [sflag:s10] =	dma.local @!p0 [spmem:s8], $0x27100  }
.Ltmp1:
0x86: {  	_ = 	snop;
	(pc) =	sbr.rel @p1 .LBB2_1-.Ltmp1, $4  }
0x87: {  	s10 =	simm.s32 @!p0 $0x9  }
0x88: {  	_ =	swait.ge @!p0 [sflag:s10], $0x27100  }
0x89: {  	[sflag:s10] =	ssyncset.done @!p0 $0x0  }
0x8a: {  	[sflag:s10] =	ssyncadd.s32 @!p0 $0xFFFD8F00  }
0x8b: {  	_ =	sfence.sel $0x180000  }
0x8c: {  	[bflag:$0x0] =	sbarrier.arrive $0xFFFF  }
0x8d: {  	_ =	strace $0x9000004A  }
0x8e: {  	[bflag:$0x2] =	sbarrier.arrive $0xFFFF  }
0x8f: {  	s0 =	rddreg [dreg:$0x3]  }
0x90: {  	s0 =	sadd.s32 @!p0 $0x100000, s0  }
0x91: {  	[sflag:s0] =	ssyncadd.tile.s32 @!p0 $0x1;
	_ =	shalt  }
.Lfunc_end2:
_tile_overlayer_lowered:
.L_overlay_start_2:
0x92: {  	(tag) =	ssettag $0x2  }
0x93: {  	s0 =	rddreg [dreg:$0x0];
	s2 =	stileid.u32  }
0x94: {  	s1 =	rddreg [dreg:$0x1];
	p0 =	sne.s32 s2, $0x0  }
0x95: {  	s3 =	rddreg [dreg:$0x2];
	[bflag:$0x3] =	sbarrier.arrive $0xFFFF;
	s2 =	simm.s32 @!p0 $0x1C09  }
0x96: {  	[timem:s3], [sflag:s2] =	dma.local @!p0 [hbm:s0], s1  }
0x97: {  	s0 =	simm.s32 @!p0 $0x9  }
0x98: {  	_ =	swait.ge @!p0 [sflag:s0], s1  }
0x99: {  	s1 =	ssub.s32 @!p0 $0x0, s1;
	[sflag:s0] =	ssyncset.done @!p0 $0x0  }
0x9a: {  	[sflag:s0] =	ssyncadd.s32 @!p0 s1  }
0x9b: {  	[bflag:$0x3] =	sbarrier.arrive $0xFFFF  }
0x9c: {  	_ =	shalt  }

// kernel: kernel.14.cloned.1.call-start
scs
__scs_entry_jumppad:
0x0: {  	(pc) =	sbr.rel $0x88, $3  }
0x1: {  	(tag) =	ssettag $0x0;
	lr =	simm.s32 $0x1  }
0x2: {  	[smem:$0x3F9B] =	sst lr;
	_ =	strace $0xD0000000  }
0x3: {  	_ = 	snop  }
0x4: {  	_ = 	snop  }
0x5: {  	_ = 	snop  }
0x6: {  	_ = 	snop  }
0x7: {  	_ = 	snop  }
__scs_overlays_trampoline_lowered:
0x8: {  	[smem:$0x3FAA] =	sst s0  }
0x9: {  	[smem:$0x3FAB] =	sst s1  }
0xa: {  	[smem:$0x3FAC] =	sst s2  }
0xb: {  	[smem:$0x3FAD] =	sst s3  }
0xc: {  	[smem:$0x3FAE] =	sst s4  }
0xd: {  	[smem:$0x3FAF] =	sst s5  }
0xe: {  	[smem:$0x3FB0] =	sst s6  }
0xf: {  	[smem:$0x3FB1] =	sst s7  }
0x10: {  	[smem:$0x3FB2] =	sst s8  }
0x11: {  	[smem:$0x3FB3] =	sst s9;
	s0 =	simm.s32 @!p0 $0x0  }
0x12: {  	s1 =	sld [smem:$0x3F99];
	s0 =	simm.s32 @p0 $0x1  }
0x13: {  	[smem:$0x3FB4] =	sst s0;
	s0 =	simm.s32 @!p1 $0x0  }
0x14: {  	s2 =	sld [smem:$0x3F98];
	s0 =	simm.s32 @p1 $0x1  }
0x15: {  	[smem:$0x3FB5] =	sst s0;
	s0 =	simm.s32 @!p2 $0x0  }
0x16: {  	s3 =	sld [smem:$0x3FDB];
	s0 =	simm.s32 @p2 $0x1  }
0x17: {  	s4 =	simm.s32 $0x1BF5;
	[smem:$0x3FB7] =	sst s0  }
0x18: {  	s0 =	sld [smem:$0x3F9A];
	_ =	swait.ge [sflag:s4], $0x0  }
0x19: {  	s7 =	sld [smem:$0x3F9B]  }
0x1a: {  	s8 =	sadd.s32 $0xFFFFE003, lr  }
0x1b: {  	s9 =	sadd.s32 $0xFFFFFEF7, lr;
	s5 =	simm.s32 $0xFFFFFFFF;
	p2 =	slt.u32 s8, $0xFFFFF086  }
0x1c: {  	p1 =	slt.u32 s9, $0xF7A;
	s5 =	simm.s32 @!p2 $0x0  }
0x1d: {  	s5 =	simm.s32 @p1 $0x1;
	p0 =	seq.s32 s7, s2  }
0x1e: {  	s7 =	smul.u32 @!p0 $0xF7A, s2;
	p2 =	seq.s32 @!p0 s5, $0x0  }
0x1f: {  	s9 =	smul.u32 $0xF7A, s1;
	s8 =	simm.s32 @!p0 $0x1BF5;
	p2 =	por !p2, p0  }
0x20: {  	[sflag:s8] =	ssyncset.s32 @!p0 $0xFFFFF086;
	s6 =	sadd.s32 @!p0 s3, s7;
	s7 =	simm.s32 @!p0 $0x108  }
0x21: {  	s3 =	sadd.s32 s3, s9;
	s6 =	sadd.s32 @!p0 $0x88, s6;
	s7 =	simm.s32 @p2 $0x1082  }
0x22: {  	[simem:s7], [sflag:s8] =	dma.local @!p0 [hbm:s6], $0xF7A  }
0x23: {  	s9 =	sor.u32 $0xD0000000, s2;
	s6 =	simm.s32 $0x108;
	_ =	swait.ge @!p0 [sflag:s8], $0x0  }
0x24: {  	s3 =	sadd.s32 $0x88, s3;
	s6 =	simm.s32 @!p1 $0x1082;
	[sflag:s4] =	ssyncset.s32 $0xFFFFF086  }
0x25: {  	[simem:s6], [sflag:s4] =	dma.local [hbm:s3], $0xF7A  }
0x26: {  	[smem:$0x3F9B] =	sst s1;
	(tag) =	ssettag s2;
	_ =	strace s9  }
0x27: {  	s1 =	sld [smem:$0x3FAB]  }
0x28: {  	s2 =	sld [smem:$0x3FAC]  }
0x29: {  	s4 =	sld [smem:$0x3FAE]  }
0x2a: {  	p0 =	seq.s32 s5, $0x0;
	s5 =	sld [smem:$0x3FAF]  }
0x2b: {  	s6 =	sld [smem:$0x3FB0]  }
0x2c: {  	s7 =	sld [smem:$0x3FB1]  }
0x2d: {  	s3 =	simm.s32 $0x108;
	s8 =	sld [smem:$0x3FB2]  }
0x2e: {  	s3 =	simm.s32 @!p0 $0x1082;
	s9 =	sld [smem:$0x3FB3]  }
0x2f: {  	lr =	sadd.s32 s0, s3;
	s0 =	sld [smem:$0x3FAA]  }
0x30: {  	s3 =	sld [smem:$0x3FAD]  }
0x31: {  	[smem:$0x3FB6] =	sst s10  }
0x32: {  	s10 =	sld [smem:$0x3FB4];
	_ =	sdelay $0x3  }
0x33: {  	p0 =	seq.s32 s10, $0x1;
	s10 =	sld [smem:$0x3FB6];
	_ =	sdelay $0x3  }
0x34: {  	[smem:$0x3FB6] =	sst s10  }
0x35: {  	s10 =	sld [smem:$0x3FB5];
	_ =	sdelay $0x3  }
0x36: {  	p1 =	seq.s32 s10, $0x1;
	s10 =	sld [smem:$0x3FB6];
	_ =	sdelay $0x3  }
0x37: {  	[smem:$0x3FB6] =	sst s10  }
0x38: {  	s10 =	sld [smem:$0x3FB7]  }
0x39: {  	_ = 	snop;
	(pc) =	sbr.ind lr, $3  }
0x3a: {  	_ = 	snop  }
0x3b: {  	_ = 	snop  }
0x3c: {  	p2 =	seq.s32 s10, $0x1;
	s10 =	sld [smem:$0x3FB6]  }
0x3d: {  	_ =	shalt  }
0x3e: {  	_ =	shalt  }
0x3f: {  	_ =	shalt  }
0x40: {  	_ =	shalt  }
0x41: {  	_ =	shalt  }
0x42: {  	_ =	shalt  }
0x43: {  	_ =	shalt  }
0x44: {  	_ =	shalt  }
0x45: {  	_ =	shalt  }
0x46: {  	_ =	shalt  }
0x47: {  	_ =	shalt  }
0x48: {  	_ =	shalt  }
0x49: {  	_ =	shalt  }
0x4a: {  	_ =	shalt  }
0x4b: {  	_ =	shalt  }
0x4c: {  	_ =	shalt  }
0x4d: {  	_ =	shalt  }
0x4e: {  	_ =	shalt  }
0x4f: {  	_ =	shalt  }
0x50: {  	_ =	shalt  }
0x51: {  	_ =	shalt  }
0x52: {  	_ =	shalt  }
0x53: {  	_ =	shalt  }
0x54: {  	_ =	shalt  }
0x55: {  	_ =	shalt  }
0x56: {  	_ =	shalt  }
0x57: {  	_ =	shalt  }
0x58: {  	_ =	shalt  }
0x59: {  	_ =	shalt  }
0x5a: {  	_ =	shalt  }
0x5b: {  	_ =	shalt  }
0x5c: {  	_ =	shalt  }
0x5d: {  	_ =	shalt  }
0x5e: {  	_ =	shalt  }
0x5f: {  	_ =	shalt  }
0x60: {  	_ =	shalt  }
0x61: {  	_ =	shalt  }
0x62: {  	_ =	shalt  }
0x63: {  	_ =	shalt  }
0x64: {  	_ =	shalt  }
0x65: {  	_ =	shalt  }
0x66: {  	_ =	shalt  }
0x67: {  	_ =	shalt  }
0x68: {  	_ =	shalt  }
0x69: {  	_ =	shalt  }
0x6a: {  	_ =	shalt  }
0x6b: {  	_ =	shalt  }
0x6c: {  	_ =	shalt  }
0x6d: {  	_ =	shalt  }
0x6e: {  	_ =	shalt  }
0x6f: {  	_ =	shalt  }
0x70: {  	_ =	shalt  }
0x71: {  	_ =	shalt  }
0x72: {  	_ =	shalt  }
0x73: {  	_ =	shalt  }
0x74: {  	_ =	shalt  }
0x75: {  	_ =	shalt  }
0x76: {  	_ =	shalt  }
0x77: {  	_ =	shalt  }
0x78: {  	_ =	shalt  }
0x79: {  	_ =	shalt  }
0x7a: {  	_ =	shalt  }
0x7b: {  	_ =	shalt  }
0x7c: {  	_ =	shalt  }
0x7d: {  	_ =	shalt  }
0x7e: {  	_ =	shalt  }
0x7f: {  	_ =	shalt  }
0x80: {  	_ =	shalt  }
0x81: {  	_ =	shalt  }
0x82: {  	_ =	shalt  }
0x83: {  	_ =	shalt  }
0x84: {  	_ =	shalt  }
0x85: {  	_ =	shalt  }
0x86: {  	_ =	shalt  }
0x87: {  	_ =	shalt  }
.Lfunc_end0:
.L_simem_size_0:
called_computation.2_lowered:
.L_overlay_start_0:
0x88: {  	s2 =	sld [smem:$0x3FD9]  }
0x89: {  	s3 =	sld [smem:$0x3FFE];
	_ =	sdelay $0x1  }
0x8a: {  	s1 =	srdreg.scid  }
0x8b: {  	s0 =	sand.u32 $0x1, s1  }
0x8c: {  	s16 =	sshll.u32 s0, $0xA;
	s2 =	sadd.s32 s3, s2  }
0x8d: {  	s2 =	sadd.s32 s2, s16  }
0x8e: {  	[smem:$0x3FC2] =	sst s2  }
0x8f: {  	_ = 	snop  }
0x90: {  	(tm) =	ssettm $0x1  }
0x91: {  	s17 =	sld [smem:$0x3FFB];
	_ =	sdelay $0x3  }
0x92: {  	_ =	strace s17  }
0x93: {  	s2 =	sld [smem:$0x3FFC];
	_ =	sdelay $0x3  }
0x94: {  	_ =	strace s2  }
0x95: {  	s2 =	sld [smem:$0x3FFD];
	_ =	sdelay $0x3  }
0x96: {  	_ =	strace s2  }
0x97: {  	_ =	strace $0x8FFFFFFF  }
0x98: {  	s18 =	sld [smem:$0x3FDB];
	_ =	sdelay $0x1  }
0x99: {  	s19 =	simm.s32 $_scs_section_size  }
0x9a: {  	s4 =	simm.s32 $_size__tile_overlayer_lowered;
	s5 =	simm.s32 $_tile_overlayer_lowered  }
0x9b: {  	s22 =	simm.s32 $0x1BFF;
	s21 =	sshll.u32 s5, $0x1;
	s2 =	sadd.s32 s19, s18  }
0x9c: {  	s6 =	simm.s32 $0x0;
	s20 =	sshll.u32 s4, $0x1;
	s4 =	sadd.s32 s21, s2  }
0x9d: {  	[timem:s6], [sflag:s22] =	dma.local [hbm:s4], s20  }
0x9e: {  	_ =	swait.ge [sflag:s22], s20  }
0x9f: {  	s3 =	ssub.s32 $0x0, s20;
	[sflag:s22] =	ssyncset.done $0x0  }
0xa0: {  	[sflag:s22] =	ssyncadd.s32 s3;
	_ =	sdelay $0x1  }
0xa1: {  	s23 =	simm.s32 $0x1B8B  }
0xa2: {  	_ =	swait.ge [sflag:s23], $0x1  }
0xa3: {  	[sflag:s23] =	ssyncset.done $0x0  }
0xa4: {  	s25 =	simm.s32 $0x1B8E;
	s24 =	sld [smem:$0x3FFE];
	[sflag:s23] =	ssyncadd.s32 $0xFFFFFFFF  }
0xa5: {  	s26 =	simm.s32 $execute0_lowered;
	[smem:$0x3FD2] =	sst s25  }
0xa6: {  	s4 =	sshll.u32 s26, $0x1;
	_ =	strace $0x8000004C;
	[dreg:$0x1] =	wrdreg $0xFFFFFFFF  }
0xa7: {  	s28 =	simm.s32 $_size_execute0_lowered;
	s2 =	sadd.s32 s2, s4;
	[dreg:$0x0] =	wrdreg $0x0  }
0xa8: {  	s4 =	sshll.u32 s28, $0x1;
	[dreg:$0x2] =	wrdreg s2  }
0xa9: {  	[dreg:$0x3] =	wrdreg s4  }
0xaa: {  	[dreg:$0x4] =	wrdreg $0xC0  }
0xab: {  	_ =	task [dreg:s6], $0x5FFFF  }
0xac: {  	[dreg:$0x1] =	wrdreg $0xFFFFFFFF  }
0xad: {  	[dreg:$0x0] =	wrdreg $0x60  }
0xae: {  	[dreg:$0x2] =	wrdreg s24  }
0xaf: {  	[dreg:$0x3] =	wrdreg $0x76200  }
0xb0: {  	[dreg:$0x4] =	wrdreg $0x9  }
0xb1: {  	_ =	task.clear_ibuf [dreg:s6], $0x5FFFF;
	_ =	strace $0x9000004C  }
0xb2: {  	s29 =	simm.s32 $0x9;
	_ =	strace $0x8000004E  }
0xb3: {  	_ =	swait.ge [sflag:s29], $0x1  }
0xb4: {  	[sflag:s29] =	ssyncadd.s32 $0xFFFFFFFF  }
0xb5: {  	_ =	strace $0x9000004E  }
0xb6: {  	_ =	sfence  }
0xb7: {  	s30 =	sld [smem:$0x0];
	_ =	sdelay $0x2  }
0xb8: {  	s31 =	sshll.u32 s1, $0xD;
	s1 =	sshrl.u32 s1, $0x2  }
0xb9: {  	s3 =	sand.u32 $0x4000, s31;
	s1 =	sadd.s32 s1, s30  }
0xba: {  	s0 =	sor.u32 s3, s0;
	s1 =	sshll.u32 s1, $0x11  }
0xbb: {  	s0 =	sor.u32 s1, s0  }
0xbc: {  	s0 =	sadd.s32 $0x8F2B, s0  }
0xbd: {  	[sflag:s0] =	ssyncadd.remote.s32 $0x1  }
0xbe: {  	_ =	sfence.sel $0xFFFF  }
0xbf: {  	[dreg:$0x0] =	wrdreg $0xFFFFFFFF;
	(pc) =	sbr.abs _section_cstart, $3  }
0xc0: {  	[dreg:$0x1] =	wrdreg $0xFFFFFFFF  }
0xc1: {  	_ =	task.clear_ibuf [dreg:s6], $0x2FFFF;
	_ =	strace $0x9FFFFFFF  }
0xc2: {  	(tm) =	ssettm $0x7FFFFFFF  }
0xc3: {  	_ =	shalt  }
tec
execute0_lowered:
.L_overlay_start_1:
0x0: {  	(tag) =	ssettag $0x1  }
0x1: {  	s0 =	rddreg [dreg:$0x0]  }
0x2: {  	s1 =	rddreg [dreg:$0x1];
	s2 =	srdreg.scid  }
0x3: {  	s9 =	stileid.u32;
	s12 =	simm.s32 $0x7D;
	s13 =	simm.s32 $0x2800  }
0x4: {  	s15 =	simm.s32 $0x3B88;
	s17 =	simm.s32 $0x4F10;
	s19 =	simm.s32 $0x6298  }
0x5: {  	s20 =	simm.s32 $0x1;
	s21 =	simm.s32 $0x5;
	s22 =	simm.s32 $0x2  }
0x6: {  	s23 =	simm.s32 $0x6;
	s24 =	simm.s32 $0x3;
	s25 =	simm.s32 $0x7  }
0x7: {  	s28 =	simm.s32 $0x8;
	s29 =	simm.s32 $0x2600;
	s30 =	simm.s32 $0x2680  }
0x8: {  	s31 =	simm.s32 $0x2700;
	s3 =	sand.u32 $0x1, s2;
	s5 =	smul.u32 $0x1400, s9  }
0x9: {  	s11 =	simm.s32 $0x0;
	s2 =	simm.s32 $0x0;
	s4 =	smul.u32 $0x14000, s3  }
0xa: {  	p0 =	sne.s32 s9, $0x0;
	[smem:$0x7FF] =	sst s2;
	s26 =	smul.u32 $0xC350, s3  }
0xb: {  	s6 =	ssub.s32 $0x2, s3;
	s3 =	sadd.s32 $0x6C00, s0;
	s4 =	sadd.s32 s5, s4  }
0xc: {  	s9 =	sshrl.u32 @!p0 s1, $0x3;
	s7 =	sshrl.u32 s6, $0x1;
	s4 =	sshrl.u32 s4, $0x3  }
0xd: {  	_ =	strace $0x8000004D;
	s10 =	ssub.s32 s6, s7;
	s8 =	sadd.s32 s4, s0  }
0xe: {  	s0 =	sadd.s32 s26, s0;
	s4 =	sadd.s32 s3, s26;
	s26 =	simm.s32 $0x4  }
0xf: {  	s5 =	sadd.s32 $0xA9A00, s8;
	s6 =	sadd.s32 $0x1C00, s8;
	s7 =	sadd.s32 $0x1F400, s0  }
0x10: {  	s8 =	smax.u32 s10, $0x1;
	s10 =	simm.s32 $0x9;
	s0 =	simm.s32 $0x2780  }
.LBB2_1:
0x11: {  	s14 =	simm.s32 @!p0 $0x1C09  }
0x12: {  	[spmem:s9], [sflag:s14] =	dma.local @!p0 [hbm:s4], $0xC350  }
0x13: {  	s14 =	simm.s32 @!p0 $0x9  }
0x14: {  	_ =	swait.ge @!p0 [sflag:s14], $0xC350  }
0x15: {  	[sflag:s14] =	ssyncset.done @!p0 $0x0  }
0x16: {  	[sflag:s14] =	ssyncadd.s32 @!p0 $0xFFFF3CB0  }
0x17: {  	[tilespmem:s2], [sflag:$0x9] =	stream.linear.gather [hbm4b:s5+s2], $0x1400, $0x38;
	[tilespmem:$0xD7C8] =	vst v63  }
0x18: {  	_ =	swait.ge [sflag:s10], $0x1400  }
0x19: {  	[sflag:s10] =	ssyncset.done $0x0  }
0x1a: {  	s18 =	simm.s32 $0x1400;
	[sflag:s10] =	ssyncadd.s32 $0xFFFFEC00  }
0x1b: {  	[tilespmem:s18], [sflag:$0x9] =	stream.linear.gather [hbm4b:s6+s2], $0x1400, $0x38;
	[tilespmem:$0xD7C8] =	vst v63  }
0x1c: {  	_ =	swait.ge [sflag:s10], $0x1400  }
0x1d: {  	[sflag:s10] =	ssyncset.done $0x0  }
0x1e: {  	[sflag:s10] =	ssyncadd.s32 $0xFFFFEC00  }
0x1f: {  	[bflag:$0x0] =	sbarrier.arrive $0xFFFF  }
0x20: {  	[tilespmem:s13], [sflag:$0x1] =	stream.indirect.gather [hbm4b:s3+s12], $0x28, s2, s12, $0xb8;
	[tilespmem:$0xD7C8] =	vst v63  }
0x21: {  	s16 =	simm.s32 $0x80  }
0x22: {  	[tilespmem:s15], [sflag:$0x2] =	stream.indirect.gather [hbm4b:s3+s12], $0x28, s16, s12, $0xb8;
	[tilespmem:$0xD7C8] =	vst v63  }
0x23: {  	s18 =	simm.s32 $0x100  }
0x24: {  	[tilespmem:s17], [sflag:$0x3] =	stream.indirect.gather [hbm4b:s3+s12], $0x28, s18, s12, $0xb8;
	[tilespmem:$0xD7C8] =	vst v63  }
0x25: {  	s16 =	simm.s32 $0x180  }
0x26: {  	[tilespmem:s19], [sflag:$0x4] =	stream.indirect.gather [hbm4b:s3+s12], $0x28, s16, s12, $0xb8;
	[tilespmem:$0xD7C8] =	vst v63  }
0x27: {  	_ =	swait.ge [sflag:s20], $0x1388  }
0x28: {  	[sflag:s20] =	ssyncset.done $0x0  }
0x29: {  	s18 =	simm.s32 $0x1400;
	[sflag:s20] =	ssyncadd.s32 $0xFFFFEC78  }
0x2a: {  	[spmem:s1] =	stream.indirect.scatter.add.f32 [tilespmem:s13], [sflag:$0x5], $0x28, s18, s12, $0xb8;
	[tilespmem:$0xD7C8] =	vst v63  }
0x2b: {  	_ =	swait.ge [sflag:s21], $0x1388  }
0x2c: {  	[sflag:s21] =	ssyncset.done $0x0  }
0x2d: {  	s16 =	simm.s32 $0x200;
	[sflag:s21] =	ssyncadd.s32 $0xFFFFEC78  }
0x2e: {  	[tilespmem:s13], [sflag:$0x1] =	stream.indirect.gather [hbm4b:s3+s12], $0x28, s16, s12, $0xb8;
	[tilespmem:$0xD7C8] =	vst v63  }
0x2f: {  	_ =	swait.ge [sflag:s22], $0x1388  }
0x30: {  	[sflag:s22] =	ssyncset.done $0x0  }
0x31: {  	s18 =	simm.s32 $0x1480;
	[sflag:s22] =	ssyncadd.s32 $0xFFFFEC78  }
0x32: {  	[spmem:s1] =	stream.indirect.scatter.add.f32 [tilespmem:s15], [sflag:$0x6], $0x28, s18, s12, $0xb8;
	[tilespmem:$0xD7C8] =	vst v63  }
0x33: {  	_ =	swait.ge [sflag:s23], $0x1388  }
0x34: {  	[sflag:s23] =	ssyncset.done $0x0  }
0x35: {  	s16 =	simm.s32 $0x280;
	[sflag:s23] =	ssyncadd.s32 $0xFFFFEC78  }
0x36: {  	[tilespmem:s15], [sflag:$0x2] =	stream.indirect.gather [hbm4b:s3+s12], $0x28, s16, s12, $0xb8;
	[tilespmem:$0xD7C8] =	vst v63  }
0x37: {  	_ =	swait.ge [sflag:s24], $0x1388  }
0x38: {  	[sflag:s24] =	ssyncset.done $0x0  }
0x39: {  	s18 =	simm.s32 $0x1500;
	[sflag:s24] =	ssyncadd.s32 $0xFFFFEC78  }
0x3a: {  	[spmem:s1] =	stream.indirect.scatter.add.f32 [tilespmem:s17], [sflag:$0x7], $0x28, s18, s12, $0xb8;
	[tilespmem:$0xD7C8] =	vst v63  }
0x3b: {  	_ =	swait.ge [sflag:s25], $0x1388  }
0x3c: {  	[sflag:s25] =	ssyncset.done $0x0  }
0x3d: {  	s16 =	simm.s32 $0x300;
	[sflag:s25] =	ssyncadd.s32 $0xFFFFEC78  }
0x3e: {  	[tilespmem:s17], [sflag:$0x3] =	stream.indirect.gather [hbm4b:s3+s12], $0x28, s16, s12, $0xb8;
	[tilespmem:$0xD7C8] =	vst v63  }
0x3f: {  	_ =	swait.ge [sflag:s26], $0x1388  }
0x40: {  	[sflag:s26] =	ssyncset.done $0x0  }
0x41: {  	s18 =	simm.s32 $0x1580;
	[sflag:s26] =	ssyncadd.s32 $0xFFFFEC78  }
0x42: {  	[spmem:s1] =	stream.indirect.scatter.add.f32 [tilespmem:s19], [sflag:$0x8], $0x28, s18, s12, $0xb8;
	[tilespmem:$0xD7C8] =	vst v63  }
0x43: {  	_ =	swait.ge [sflag:s28], $0x1388  }
0x44: {  	[sflag:s28] =	ssyncset.done $0x0  }
0x45: {  	s14 =	simm.s32 $0x800;
	s16 =	simm.s32 $0x380;
	[sflag:s28] =	ssyncadd.s32 $0xFFFFEC78  }
.LBB2_2:
0x46: {  	[tilespmem:s19], [sflag:$0x4] =	stream.indirect.gather [hbm4b:s3+s12], $0x28, s16, s12, $0xb8;
	[tilespmem:$0xD7C8] =	vst v63  }
0x47: {  	s16 =	smov.u32 s14  }
0x48: {  	p1 =	sne.s32 s14, $0x4000;
	s14 =	sadd.s32 $0x800, s14;
	_ =	swait.ge [sflag:s20], $0x1388  }
0x49: {  	s16 =	sshra.s32 s16, $0x2;
	[sflag:s20] =	ssyncset.done $0x0  }
0x4a: {  	s18 =	sadd.s32 $0x1400, s16;
	[sflag:s20] =	ssyncadd.s32 $0xFFFFEC78  }
0x4b: {  	[spmem:s1] =	stream.indirect.scatter.add.f32 [tilespmem:s13], [sflag:$0x5], $0x28, s18, s12, $0xb8;
	[tilespmem:$0xD7C8] =	vst v63  }
0x4c: {  	_ =	swait.ge [sflag:s21], $0x1388  }
0x4d: {  	[sflag:s21] =	ssyncset.done $0x0  }
0x4e: {  	s18 =	sadd.s32 $0x200, s16;
	[sflag:s21] =	ssyncadd.s32 $0xFFFFEC78  }
0x4f: {  	[tilespmem:s13], [sflag:$0x1] =	stream.indirect.gather [hbm4b:s3+s12], $0x28, s18, s12, $0xb8;
	[tilespmem:$0xD7C8] =	vst v63  }
0x50: {  	_ =	swait.ge [sflag:s22], $0x1388  }
0x51: {  	[sflag:s22] =	ssyncset.done $0x0  }
0x52: {  	s18 =	sadd.s32 $0x1480, s16;
	[sflag:s22] =	ssyncadd.s32 $0xFFFFEC78  }
0x53: {  	[spmem:s1] =	stream.indirect.scatter.add.f32 [tilespmem:s15], [sflag:$0x6], $0x28, s18, s12, $0xb8;
	[tilespmem:$0xD7C8] =	vst v63  }
0x54: {  	_ =	swait.ge [sflag:s23], $0x1388  }
0x55: {  	[sflag:s23] =	ssyncset.done $0x0  }
0x56: {  	s18 =	sadd.s32 $0x280, s16;
	[sflag:s23] =	ssyncadd.s32 $0xFFFFEC78  }
0x57: {  	[tilespmem:s15], [sflag:$0x2] =	stream.indirect.gather [hbm4b:s3+s12], $0x28, s18, s12, $0xb8;
	[tilespmem:$0xD7C8] =	vst v63  }
0x58: {  	_ =	swait.ge [sflag:s24], $0x1388  }
0x59: {  	[sflag:s24] =	ssyncset.done $0x0  }
0x5a: {  	s18 =	sadd.s32 $0x1500, s16;
	[sflag:s24] =	ssyncadd.s32 $0xFFFFEC78  }
0x5b: {  	[spmem:s1] =	stream.indirect.scatter.add.f32 [tilespmem:s17], [sflag:$0x7], $0x28, s18, s12, $0xb8;
	[tilespmem:$0xD7C8] =	vst v63  }
0x5c: {  	_ =	swait.ge [sflag:s25], $0x1388  }
0x5d: {  	[sflag:s25] =	ssyncset.done $0x0  }
0x5e: {  	s18 =	sadd.s32 $0x300, s16;
	[sflag:s25] =	ssyncadd.s32 $0xFFFFEC78  }
0x5f: {  	[tilespmem:s17], [sflag:$0x3] =	stream.indirect.gather [hbm4b:s3+s12], $0x28, s18, s12, $0xb8;
	[tilespmem:$0xD7C8] =	vst v63  }
0x60: {  	_ =	swait.ge [sflag:s26], $0x1388  }
0x61: {  	[sflag:s26] =	ssyncset.done $0x0  }
.Ltmp0:
0x62: {  	s18 =	sadd.s32 $0x1580, s16;
	[sflag:s26] =	ssyncadd.s32 $0xFFFFEC78;
	(pc) =	sbr.rel @p1 .LBB2_2-.Ltmp0, $4  }
0x63: {  	[spmem:s1] =	stream.indirect.scatter.add.f32 [tilespmem:s19], [sflag:$0x8], $0x28, s18, s12, $0xb8;
	[tilespmem:$0xD7C8] =	vst v63  }
0x64: {  	_ =	swait.ge [sflag:s28], $0x1388  }
0x65: {  	[sflag:s28] =	ssyncset.done $0x0  }
0x66: {  	s16 =	sadd.s32 $0x380, s16;
	[sflag:s28] =	ssyncadd.s32 $0xFFFFEC78  }
0x67: {  	[tilespmem:s19], [sflag:$0x4] =	stream.indirect.gather [hbm4b:s3+s12], $0x28, s16, s12, $0xb8;
	[tilespmem:$0xD7C8] =	vst v63  }
0x68: {  	_ =	swait.ge [sflag:s20], $0x1388  }
0x69: {  	[sflag:s20] =	ssyncset.done $0x0  }
0x6a: {  	[sflag:s20] =	ssyncadd.s32 $0xFFFFEC78  }
0x6b: {  	[spmem:s1] =	stream.indirect.scatter.add.f32 [tilespmem:s13], [sflag:$0x5], $0x28, s29, s12, $0xb8;
	[tilespmem:$0xD7C8] =	vst v63  }
0x6c: {  	_ =	swait.ge [sflag:s22], $0x1388  }
0x6d: {  	[sflag:s22] =	ssyncset.done $0x0  }
0x6e: {  	[sflag:s22] =	ssyncadd.s32 $0xFFFFEC78  }
0x6f: {  	[spmem:s1] =	stream.indirect.scatter.add.f32 [tilespmem:s15], [sflag:$0x6], $0x28, s30, s12, $0xb8;
	[tilespmem:$0xD7C8] =	vst v63  }
0x70: {  	_ =	swait.ge [sflag:s24], $0x1388  }
0x71: {  	[sflag:s24] =	ssyncset.done $0x0  }
0x72: {  	[sflag:s24] =	ssyncadd.s32 $0xFFFFEC78  }
0x73: {  	[spmem:s1] =	stream.indirect.scatter.add.f32 [tilespmem:s17], [sflag:$0x7], $0x28, s31, s12, $0xb8;
	[tilespmem:$0xD7C8] =	vst v63  }
0x74: {  	_ =	swait.ge [sflag:s26], $0x1388  }
0x75: {  	[sflag:s26] =	ssyncset.done $0x0  }
0x76: {  	[sflag:s26] =	ssyncadd.s32 $0xFFFFEC78  }
0x77: {  	[spmem:s1] =	stream.indirect.scatter.add.f32 [tilespmem:s19], [sflag:$0x8], $0x28, s0, s12, $0xb8;
	[tilespmem:$0xD7C8] =	vst v63  }
0x78: {  	_ =	swait.ge [sflag:s21], $0x1388  }
0x79: {  	[sflag:s21] =	ssyncset.done $0x0  }
0x7a: {  	[sflag:s21] =	ssyncadd.s32 $0xFFFFEC78  }
0x7b: {  	_ =	swait.ge [sflag:s23], $0x1388  }
0x7c: {  	[sflag:s23] =	ssyncset.done $0x0  }
0x7d: {  	[sflag:s23] =	ssyncadd.s32 $0xFFFFEC78  }
0x7e: {  	_ =	swait.ge [sflag:s25], $0x1388  }
0x7f: {  	[sflag:s25] =	ssyncset.done $0x0  }
0x80: {  	[sflag:s25] =	ssyncadd.s32 $0xFFFFEC78  }
0x81: {  	_ =	swait.ge [sflag:s28], $0x1388  }
0x82: {  	[sflag:s28] =	ssyncset.done $0x0  }
0x83: {  	s11 =	sadd.s32 $0x1, s11;
	[sflag:s28] =	ssyncadd.s32 $0xFFFFEC78  }
0x84: {  	s14 =	simm.s32 @!p0 $0x1C09;
	p1 =	sne.s32 s11, s8;
	[bflag:$0x0] =	sbarrier.arrive $0xFFFF  }
0x85: {  	[hbm:s7], [sflag:s14] =	dma.local @!p0 [spmem:s9], $0xC350  }
.Ltmp1:
0x86: {  	_ = 	snop;
	(pc) =	sbr.rel @p1 .LBB2_1-.Ltmp1, $4  }
0x87: {  	s14 =	simm.s32 @!p0 $0x9  }
0x88: {  	_ =	swait.ge @!p0 [sflag:s14], $0xC350  }
0x89: {  	[sflag:s14] =	ssyncset.done @!p0 $0x0  }
0x8a: {  	[sflag:s14] =	ssyncadd.s32 @!p0 $0xFFFF3CB0  }
0x8b: {  	_ =	sfence.sel $0x180000  }
0x8c: {  	[bflag:$0x0] =	sbarrier.arrive $0xFFFF  }
0x8d: {  	_ =	strace $0x9000004D  }
0x8e: {  	[bflag:$0x2] =	sbarrier.arrive $0xFFFF  }
0x8f: {  	s0 =	rddreg [dreg:$0x2]  }
0x90: {  	s0 =	sadd.s32 @!p0 $0x100000, s0  }
0x91: {  	[sflag:s0] =	ssyncadd.tile.s32 @!p0 $0x1;
	_ =	shalt  }
.Lfunc_end2:
_tile_overlayer_lowered:
.L_overlay_start_2:
0x92: {  	(tag) =	ssettag $0x2  }
0x93: {  	s0 =	rddreg [dreg:$0x0];
	s2 =	stileid.u32  }
0x94: {  	s1 =	rddreg [dreg:$0x1];
	p0 =	sne.s32 s2, $0x0  }
0x95: {  	s3 =	rddreg [dreg:$0x2];
	[bflag:$0x3] =	sbarrier.arrive $0xFFFF;
	s2 =	simm.s32 @!p0 $0x1C09  }
0x96: {  	[timem:s3], [sflag:s2] =	dma.local @!p0 [hbm:s0], s1  }
0x97: {  	s0 =	simm.s32 @!p0 $0x9  }
0x98: {  	_ =	swait.ge @!p0 [sflag:s0], s1  }
0x99: {  	s1 =	ssub.s32 @!p0 $0x0, s1;
	[sflag:s0] =	ssyncset.done @!p0 $0x0  }
0x9a: {  	[sflag:s0] =	ssyncadd.s32 @!p0 s1  }
0x9b: {  	[bflag:$0x3] =	sbarrier.arrive $0xFFFF  }
0x9c: {  	_ =	shalt  }

// kernel: kernel.8.cloned.1.call-start
scs
__scs_entry_jumppad:
0x0: {  	(pc) =	sbr.rel $0x88, $3  }
0x1: {  	(tag) =	ssettag $0x0;
	lr =	simm.s32 $0x1  }
0x2: {  	[smem:$0x3F9B] =	sst lr;
	_ =	strace $0xD0000000  }
0x3: {  	_ = 	snop  }
0x4: {  	_ = 	snop  }
0x5: {  	_ = 	snop  }
0x6: {  	_ = 	snop  }
0x7: {  	_ = 	snop  }
__scs_overlays_trampoline_lowered:
0x8: {  	[smem:$0x3FAA] =	sst s0  }
0x9: {  	[smem:$0x3FAB] =	sst s1  }
0xa: {  	[smem:$0x3FAC] =	sst s2  }
0xb: {  	[smem:$0x3FAD] =	sst s3  }
0xc: {  	[smem:$0x3FAE] =	sst s4  }
0xd: {  	[smem:$0x3FAF] =	sst s5  }
0xe: {  	[smem:$0x3FB0] =	sst s6  }
0xf: {  	[smem:$0x3FB1] =	sst s7  }
0x10: {  	[smem:$0x3FB2] =	sst s8  }
0x11: {  	[smem:$0x3FB3] =	sst s9;
	s0 =	simm.s32 @!p0 $0x0  }
0x12: {  	s1 =	sld [smem:$0x3F99];
	s0 =	simm.s32 @p0 $0x1  }
0x13: {  	[smem:$0x3FB4] =	sst s0;
	s0 =	simm.s32 @!p1 $0x0  }
0x14: {  	s2 =	sld [smem:$0x3F98];
	s0 =	simm.s32 @p1 $0x1  }
0x15: {  	[smem:$0x3FB5] =	sst s0;
	s0 =	simm.s32 @!p2 $0x0  }
0x16: {  	s3 =	sld [smem:$0x3FDB];
	s0 =	simm.s32 @p2 $0x1  }
0x17: {  	s4 =	simm.s32 $0x1BF5;
	[smem:$0x3FB7] =	sst s0  }
0x18: {  	s0 =	sld [smem:$0x3F9A];
	_ =	swait.ge [sflag:s4], $0x0  }
0x19: {  	s7 =	sld [smem:$0x3F9B]  }
0x1a: {  	s8 =	sadd.s32 $0xFFFFE003, lr  }
0x1b: {  	s9 =	sadd.s32 $0xFFFFFEF7, lr;
	s5 =	simm.s32 $0xFFFFFFFF;
	p2 =	slt.u32 s8, $0xFFFFF086  }
0x1c: {  	p1 =	slt.u32 s9, $0xF7A;
	s5 =	simm.s32 @!p2 $0x0  }
0x1d: {  	s5 =	simm.s32 @p1 $0x1;
	p0 =	seq.s32 s7, s2  }
0x1e: {  	s7 =	smul.u32 @!p0 $0xF7A, s2;
	p2 =	seq.s32 @!p0 s5, $0x0  }
0x1f: {  	s9 =	smul.u32 $0xF7A, s1;
	s8 =	simm.s32 @!p0 $0x1BF5;
	p2 =	por !p2, p0  }
0x20: {  	[sflag:s8] =	ssyncset.s32 @!p0 $0xFFFFF086;
	s6 =	sadd.s32 @!p0 s3, s7;
	s7 =	simm.s32 @!p0 $0x108  }
0x21: {  	s3 =	sadd.s32 s3, s9;
	s6 =	sadd.s32 @!p0 $0x88, s6;
	s7 =	simm.s32 @p2 $0x1082  }
0x22: {  	[simem:s7], [sflag:s8] =	dma.local @!p0 [hbm:s6], $0xF7A  }
0x23: {  	s9 =	sor.u32 $0xD0000000, s2;
	s6 =	simm.s32 $0x108;
	_ =	swait.ge @!p0 [sflag:s8], $0x0  }
0x24: {  	s3 =	sadd.s32 $0x88, s3;
	s6 =	simm.s32 @!p1 $0x1082;
	[sflag:s4] =	ssyncset.s32 $0xFFFFF086  }
0x25: {  	[simem:s6], [sflag:s4] =	dma.local [hbm:s3], $0xF7A  }
0x26: {  	[smem:$0x3F9B] =	sst s1;
	(tag) =	ssettag s2;
	_ =	strace s9  }
0x27: {  	s1 =	sld [smem:$0x3FAB]  }
0x28: {  	s2 =	sld [smem:$0x3FAC]  }
0x29: {  	s4 =	sld [smem:$0x3FAE]  }
0x2a: {  	p0 =	seq.s32 s5, $0x0;
	s5 =	sld [smem:$0x3FAF]  }
0x2b: {  	s6 =	sld [smem:$0x3FB0]  }
0x2c: {  	s7 =	sld [smem:$0x3FB1]  }
0x2d: {  	s3 =	simm.s32 $0x108;
	s8 =	sld [smem:$0x3FB2]  }
0x2e: {  	s3 =	simm.s32 @!p0 $0x1082;
	s9 =	sld [smem:$0x3FB3]  }
0x2f: {  	lr =	sadd.s32 s0, s3;
	s0 =	sld [smem:$0x3FAA]  }
0x30: {  	s3 =	sld [smem:$0x3FAD]  }
0x31: {  	[smem:$0x3FB6] =	sst s10  }
0x32: {  	s10 =	sld [smem:$0x3FB4];
	_ =	sdelay $0x3  }
0x33: {  	p0 =	seq.s32 s10, $0x1;
	s10 =	sld [smem:$0x3FB6];
	_ =	sdelay $0x3  }
0x34: {  	[smem:$0x3FB6] =	sst s10  }
0x35: {  	s10 =	sld [smem:$0x3FB5];
	_ =	sdelay $0x3  }
0x36: {  	p1 =	seq.s32 s10, $0x1;
	s10 =	sld [smem:$0x3FB6];
	_ =	sdelay $0x3  }
0x37: {  	[smem:$0x3FB6] =	sst s10  }
0x38: {  	s10 =	sld [smem:$0x3FB7]  }
0x39: {  	_ = 	snop;
	(pc) =	sbr.ind lr, $3  }
0x3a: {  	_ = 	snop  }
0x3b: {  	_ = 	snop  }
0x3c: {  	p2 =	seq.s32 s10, $0x1;
	s10 =	sld [smem:$0x3FB6]  }
0x3d: {  	_ =	shalt  }
0x3e: {  	_ =	shalt  }
0x3f: {  	_ =	shalt  }
0x40: {  	_ =	shalt  }
0x41: {  	_ =	shalt  }
0x42: {  	_ =	shalt  }
0x43: {  	_ =	shalt  }
0x44: {  	_ =	shalt  }
0x45: {  	_ =	shalt  }
0x46: {  	_ =	shalt  }
0x47: {  	_ =	shalt  }
0x48: {  	_ =	shalt  }
0x49: {  	_ =	shalt  }
0x4a: {  	_ =	shalt  }
0x4b: {  	_ =	shalt  }
0x4c: {  	_ =	shalt  }
0x4d: {  	_ =	shalt  }
0x4e: {  	_ =	shalt  }
0x4f: {  	_ =	shalt  }
0x50: {  	_ =	shalt  }
0x51: {  	_ =	shalt  }
0x52: {  	_ =	shalt  }
0x53: {  	_ =	shalt  }
0x54: {  	_ =	shalt  }
0x55: {  	_ =	shalt  }
0x56: {  	_ =	shalt  }
0x57: {  	_ =	shalt  }
0x58: {  	_ =	shalt  }
0x59: {  	_ =	shalt  }
0x5a: {  	_ =	shalt  }
0x5b: {  	_ =	shalt  }
0x5c: {  	_ =	shalt  }
0x5d: {  	_ =	shalt  }
0x5e: {  	_ =	shalt  }
0x5f: {  	_ =	shalt  }
0x60: {  	_ =	shalt  }
0x61: {  	_ =	shalt  }
0x62: {  	_ =	shalt  }
0x63: {  	_ =	shalt  }
0x64: {  	_ =	shalt  }
0x65: {  	_ =	shalt  }
0x66: {  	_ =	shalt  }
0x67: {  	_ =	shalt  }
0x68: {  	_ =	shalt  }
0x69: {  	_ =	shalt  }
0x6a: {  	_ =	shalt  }
0x6b: {  	_ =	shalt  }
0x6c: {  	_ =	shalt  }
0x6d: {  	_ =	shalt  }
0x6e: {  	_ =	shalt  }
0x6f: {  	_ =	shalt  }
0x70: {  	_ =	shalt  }
0x71: {  	_ =	shalt  }
0x72: {  	_ =	shalt  }
0x73: {  	_ =	shalt  }
0x74: {  	_ =	shalt  }
0x75: {  	_ =	shalt  }
0x76: {  	_ =	shalt  }
0x77: {  	_ =	shalt  }
0x78: {  	_ =	shalt  }
0x79: {  	_ =	shalt  }
0x7a: {  	_ =	shalt  }
0x7b: {  	_ =	shalt  }
0x7c: {  	_ =	shalt  }
0x7d: {  	_ =	shalt  }
0x7e: {  	_ =	shalt  }
0x7f: {  	_ =	shalt  }
0x80: {  	_ =	shalt  }
0x81: {  	_ =	shalt  }
0x82: {  	_ =	shalt  }
0x83: {  	_ =	shalt  }
0x84: {  	_ =	shalt  }
0x85: {  	_ =	shalt  }
0x86: {  	_ =	shalt  }
0x87: {  	_ =	shalt  }
.Lfunc_end0:
.L_simem_size_0:
called_computation_lowered:
.L_overlay_start_0:
0x88: {  	s2 =	sld [smem:$0x3FD9]  }
0x89: {  	s3 =	sld [smem:$0x3FFE];
	_ =	sdelay $0x1  }
0x8a: {  	s1 =	srdreg.scid  }
0x8b: {  	s0 =	sand.u32 $0x1, s1  }
0x8c: {  	s16 =	sshll.u32 s0, $0xA;
	s2 =	sadd.s32 s3, s2  }
0x8d: {  	s2 =	sadd.s32 s2, s16  }
0x8e: {  	[smem:$0x3FC2] =	sst s2  }
0x8f: {  	_ = 	snop  }
0x90: {  	(tm) =	ssettm $0x1  }
0x91: {  	s17 =	sld [smem:$0x3FFB];
	_ =	sdelay $0x3  }
0x92: {  	_ =	strace s17  }
0x93: {  	s2 =	sld [smem:$0x3FFC];
	_ =	sdelay $0x3  }
0x94: {  	_ =	strace s2  }
0x95: {  	s2 =	sld [smem:$0x3FFD];
	_ =	sdelay $0x3  }
0x96: {  	_ =	strace s2  }
0x97: {  	_ =	strace $0x8FFFFFFF  }
0x98: {  	s18 =	sld [smem:$0x3FDB];
	_ =	sdelay $0x1  }
0x99: {  	s19 =	simm.s32 $_scs_section_size  }
0x9a: {  	s4 =	simm.s32 $_size__tile_overlayer_lowered;
	s5 =	simm.s32 $_tile_overlayer_lowered  }
0x9b: {  	s22 =	simm.s32 $0x1BFF;
	s21 =	sshll.u32 s5, $0x1;
	s2 =	sadd.s32 s19, s18  }
0x9c: {  	s6 =	simm.s32 $0x0;
	s20 =	sshll.u32 s4, $0x1;
	s4 =	sadd.s32 s21, s2  }
0x9d: {  	[timem:s6], [sflag:s22] =	dma.local [hbm:s4], s20  }
0x9e: {  	_ =	swait.ge [sflag:s22], s20  }
0x9f: {  	s3 =	ssub.s32 $0x0, s20;
	[sflag:s22] =	ssyncset.done $0x0  }
0xa0: {  	[sflag:s22] =	ssyncadd.s32 s3;
	_ =	sdelay $0x1  }
0xa1: {  	s23 =	simm.s32 $0x1B8B  }
0xa2: {  	_ =	swait.ge [sflag:s23], $0x1  }
0xa3: {  	[sflag:s23] =	ssyncset.done $0x0  }
0xa4: {  	s25 =	simm.s32 $0x1B8E;
	s24 =	sld [smem:$0x3FFE];
	[sflag:s23] =	ssyncadd.s32 $0xFFFFFFFF  }
0xa5: {  	s26 =	simm.s32 $execute0_lowered;
	[smem:$0x3FD2] =	sst s25  }
0xa6: {  	s4 =	sshll.u32 s26, $0x1;
	_ =	strace $0x80000046;
	[dreg:$0x1] =	wrdreg $0xFFFFFFFF  }
0xa7: {  	s28 =	simm.s32 $_size_execute0_lowered;
	s2 =	sadd.s32 s2, s4;
	[dreg:$0x0] =	wrdreg $0x0  }
0xa8: {  	s4 =	sshll.u32 s28, $0x1;
	[dreg:$0x2] =	wrdreg s2  }
0xa9: {  	[dreg:$0x3] =	wrdreg s4  }
0xaa: {  	[dreg:$0x4] =	wrdreg $0xC0  }
0xab: {  	_ =	task [dreg:s6], $0x5FFFF  }
0xac: {  	[dreg:$0x1] =	wrdreg $0xFFFFFFFF  }
0xad: {  	[dreg:$0x0] =	wrdreg $0x60  }
0xae: {  	[dreg:$0x2] =	wrdreg s24  }
0xaf: {  	[dreg:$0x3] =	wrdreg $0x3B900  }
0xb0: {  	[dreg:$0x4] =	wrdreg $0x9  }
0xb1: {  	_ =	task.clear_ibuf [dreg:s6], $0x5FFFF;
	_ =	strace $0x90000046  }
0xb2: {  	s29 =	simm.s32 $0x9;
	_ =	strace $0x80000048  }
0xb3: {  	_ =	swait.ge [sflag:s29], $0x1  }
0xb4: {  	[sflag:s29] =	ssyncadd.s32 $0xFFFFFFFF  }
0xb5: {  	_ =	strace $0x90000048  }
0xb6: {  	_ =	sfence  }
0xb7: {  	s30 =	sld [smem:$0x0];
	_ =	sdelay $0x2  }
0xb8: {  	s31 =	sshll.u32 s1, $0xD;
	s1 =	sshrl.u32 s1, $0x2  }
0xb9: {  	s3 =	sand.u32 $0x4000, s31;
	s1 =	sadd.s32 s1, s30  }
0xba: {  	s0 =	sor.u32 s3, s0;
	s1 =	sshll.u32 s1, $0x11  }
0xbb: {  	s0 =	sor.u32 s1, s0  }
0xbc: {  	s0 =	sadd.s32 $0x8F2B, s0  }
0xbd: {  	[sflag:s0] =	ssyncadd.remote.s32 $0x1  }
0xbe: {  	_ =	sfence.sel $0xFFFF  }
0xbf: {  	[dreg:$0x0] =	wrdreg $0xFFFFFFFF;
	(pc) =	sbr.abs _section_cstart, $3  }
0xc0: {  	[dreg:$0x1] =	wrdreg $0xFFFFFFFF  }
0xc1: {  	_ =	task.clear_ibuf [dreg:s6], $0x2FFFF;
	_ =	strace $0x9FFFFFFF  }
0xc2: {  	(tm) =	ssettm $0x7FFFFFFF  }
0xc3: {  	_ =	shalt  }
tec
execute0_lowered:
.L_overlay_start_1:
0x0: {  	(tag) =	ssettag $0x1  }
0x1: {  	s0 =	srdreg.scid;
	s5 =	rddreg [dreg:$0x0]  }
0x2: {  	s8 =	stileid.u32;
	s1 =	rddreg [dreg:$0x1];
	s2 =	simm.s32 $0x0  }
0x3: {  	s10 =	simm.s32 $0x7D;
	s4 =	sand.u32 $0x1, s0;
	s0 =	rddreg [dreg:$0x2]  }
0x4: {  	s11 =	simm.s32 $0x0;
	s6 =	smul.u32 $0x1400, s8;
	[smem:$0x7FF] =	sst s2  }
0x5: {  	p0 =	sne.s32 s8, $0x0;
	s8 =	simm.s32 $0x1;
	s3 =	smul.u32 $0x14000, s4  }
0x6: {  	_ =	strace $0x80000047;
	s30 =	smul.u32 $0x4E2, s4;
	s9 =	ssub.s32 $0x2, s4  }
0x7: {  	s4 =	sadd.s32 $0x6C00, s5;
	s31 =	sshrl.u32 s9, $0x1;
	s3 =	sadd.s32 s6, s3  }
0x8: {  	s6 =	sadd.s32 s30, s5;
	s9 =	ssub.s32 s9, s31;
	s3 =	sshrl.u32 s3, $0x3  }
0x9: {  	s6 =	sadd.s32 $0x7400, s6;
	s7 =	sadd.s32 s3, s5;
	s3 =	sadd.s32 $0x7200, s5  }
0xa: {  	s5 =	sadd.s32 $0x1C00, s7;
	s7 =	smax.u32 s9, $0x1;
	s9 =	simm.s32 $0x1400  }
.LBB2_1:
0xb: {  	s12 =	simm.s32 @!p0 $0x0;
	s13 =	simm.s32 @!p0 $0x1480  }
0xc: {  	[tilespmem:s13], [sflag:$0x1] =	stream.linear.gather @!p0 [hbm4b:s4+s12], $0x2710, $0x38;
	[tilespmem:$0x3E08] =	vst v63  }
0xd: {  	s12 =	simm.s32 @!p0 $0x1  }
0xe: {  	_ =	swait.ge @!p0 [sflag:s12], $0x2710  }
0xf: {  	[sflag:s12] =	ssyncset.done @!p0 $0x0  }
0x10: {  	[sflag:s12] =	ssyncadd.s32 @!p0 $0xFFFFD8F0  }
0x11: {  	[spmem:s1] =	stream.linear.scatter @!p0 [tilespmem:s13], [sflag:$0x1], $0x2710, $0x38;
	[tilespmem:$0x3E08] =	vst v63  }
0x12: {  	_ =	swait.ge @!p0 [sflag:s12], $0x2710  }
0x13: {  	[sflag:s12] =	ssyncset.done @!p0 $0x0  }
0x14: {  	[sflag:s12] =	ssyncadd.s32 @!p0 $0xFFFFD8F0  }
0x15: {  	[tilespmem:s2], [sflag:$0x1] =	stream.linear.gather [hbm4b:s5+s2], $0x1400, $0x38;
	[tilespmem:$0x3E08] =	vst v63  }
0x16: {  	_ =	swait.ge [sflag:s8], $0x1400  }
0x17: {  	[sflag:s8] =	ssyncset.done $0x0  }
0x18: {  	[sflag:s8] =	ssyncadd.s32 $0xFFFFEC00  }
0x19: {  	[tilespmem:s9], [sflag:$0x1] =	stream.linear.gather [hbm4b:s3+s2], $0x80, $0x38;
	[tilespmem:$0x3E08] =	vst v63  }
0x1a: {  	_ =	swait.ge [sflag:s8], $0x80  }
0x1b: {  	[sflag:s8] =	ssyncset.done $0x0  }
0x1c: {  	[sflag:s8] =	ssyncadd.s32 $0xFFFFFF80  }
0x1d: {  	s31 =	simm.s32 $0x0;
	[bflag:$0x0] =	sbarrier.arrive $0xFFFF  }
0x1e: {  	[spmem:s1] =	stream.indirect.scatter.add.f32 [tilespmem:s9], [sflag:$0x1], $0x1, s31, s10, $0xb8;
	[tilespmem:$0x3E08] =	vst v63  }
0x1f: {  	_ =	swait.ge [sflag:s8], $0x7D  }
0x20: {  	s12 =	simm.s32 $0x200;
	[sflag:s8] =	ssyncset.done $0x0  }
.LBB2_2:
0x21: {  	s13 =	sshra.s32 s12, $0x2;
	[sflag:s8] =	ssyncadd.s32 $0xFFFFFF83;
	p1 =	sne.s32 s12, $0x4E00  }
0x22: {  	[spmem:s1] =	stream.indirect.scatter.add.f32 [tilespmem:s9], [sflag:$0x1], $0x1, s13, s10, $0xb8;
	[tilespmem:$0x3E08] =	vst v63  }
.Ltmp0:
0x23: {  	_ = 	snop;
	(pc) =	sbr.rel @p1 .LBB2_2-.Ltmp0, $4  }
0x24: {  	_ = 	snop  }
0x25: {  	s12 =	sadd.s32 $0x200, s12  }
0x26: {  	_ =	swait.ge [sflag:s8], $0x7D  }
0x27: {  	[sflag:s8] =	ssyncset.done $0x0  }
0x28: {  	[sflag:s8] =	ssyncadd.s32 $0xFFFFFF83  }
0x29: {  	s12 =	simm.s32 @!p0 $0x1480;
	s13 =	simm.s32 @!p0 $0x1;
	[bflag:$0x0] =	sbarrier.arrive $0xFFFF  }
0x2a: {  	[tilespmem:s12], [sflag:$0x1] =	stream.linear.gather @!p0 [spmem:s1], $0x2710, $0x38;
	[tilespmem:$0x3E08] =	vst v63  }
0x2b: {  	s11 =	sadd.s32 $0x1, s11;
	_ =	swait.ge @!p0 [sflag:s13], $0x2710  }
0x2c: {  	p1 =	sne.s32 s11, s7;
	[sflag:s13] =	ssyncset.done @!p0 $0x0  }
.Ltmp1:
0x2d: {  	s14 =	simm.s32 @!p0 $0x0;
	[sflag:s13] =	ssyncadd.s32 @!p0 $0xFFFFD8F0;
	(pc) =	sbr.rel @p1 .LBB2_1-.Ltmp1, $4  }
0x2e: {  	[hbm4b:s6+s14] =	stream.linear.scatter @!p0 [tilespmem:s12], [sflag:$0x1], $0x2710, $0x38;
	[tilespmem:$0x3E08] =	vst v63  }
0x2f: {  	_ =	swait.ge @!p0 [sflag:s13], $0x2710  }
0x30: {  	[sflag:s13] =	ssyncset.done @!p0 $0x0  }
0x31: {  	[sflag:s13] =	ssyncadd.s32 @!p0 $0xFFFFD8F0  }
0x32: {  	_ =	sfence.sel $0x180000  }
0x33: {  	[bflag:$0x0] =	sbarrier.arrive $0xFFFF  }
0x34: {  	_ =	strace $0x90000047  }
0x35: {  	s0 =	sadd.s32 @!p0 $0x100000, s0;
	[bflag:$0x2] =	sbarrier.arrive $0xFFFF  }
0x36: {  	[sflag:s0] =	ssyncadd.tile.s32 @!p0 $0x1;
	_ =	shalt  }
.Lfunc_end2:
_tile_overlayer_lowered:
.L_overlay_start_2:
0x37: {  	(tag) =	ssettag $0x2  }
0x38: {  	s0 =	rddreg [dreg:$0x0];
	s2 =	stileid.u32  }
0x39: {  	s1 =	rddreg [dreg:$0x1];
	p0 =	sne.s32 s2, $0x0  }
0x3a: {  	s3 =	rddreg [dreg:$0x2];
	[bflag:$0x3] =	sbarrier.arrive $0xFFFF;
	s2 =	simm.s32 @!p0 $0x1C01  }
0x3b: {  	[timem:s3], [sflag:s2] =	dma.local @!p0 [hbm:s0], s1  }
0x3c: {  	s0 =	simm.s32 @!p0 $0x1  }
0x3d: {  	_ =	swait.ge @!p0 [sflag:s0], s1  }
0x3e: {  	s1 =	ssub.s32 @!p0 $0x0, s1;
	[sflag:s0] =	ssyncset.done @!p0 $0x0  }
0x3f: {  	[sflag:s0] =	ssyncadd.s32 @!p0 s1  }
0x40: {  	[bflag:$0x3] =	sbarrier.arrive $0xFFFF  }
0x41: {  	_ =	shalt  }

</sc_bundles>
